<compile_context>
chip_gen: v7x
topology: tpu7x:2x2x1
jax: 0.10.2.dev20260603
libtpu: 0.0.44.dev20260713+nightly
codegen_flags: <defaults>
</compile_context>

<pallas_src>
import functools

import jax
import jax.numpy as jnp
from jax import lax
from jax.experimental import pallas as pl
from jax.experimental.pallas import tpu as pltpu
from jax.experimental.pallas import tpu_sc as plsc

K = 128
EDGE_TYPES = 16384
B, N = 4, 256
E = B * N * N
ROWS = E // 128

_NC = 2
_NS = 16
_L = 16
_NW = _NC * _NS
_EPW = E // _NW

_LOG2E = 1.4426950408889634

_NQ = 8
_RB = 16
_NBUF = 2


def _sc_fma_body(et_hbm, x_hbm, mul_hbm, bias_hbm, out_hbm,
                 idx_v, x_v, xx_v, mul_v, bias_v, sem):
    wid = lax.axis_index("s") * _NC + lax.axis_index("c")
    base = wid * _EPW
    c1 = pltpu.async_copy(et_hbm.at[pl.ds(base, _EPW)], idx_v, sem)
    c2 = pltpu.async_copy(x_hbm.at[pl.ds(base, _EPW)], x_v, sem)
    c3 = pltpu.async_copy(mul_hbm, mul_v, sem)
    c4 = pltpu.async_copy(bias_hbm, bias_v, sem)
    c1.wait()
    c2.wait()
    c3.wait()
    c4.wait()

    @plsc.parallel_loop(0, _EPW // _L, unroll=8)
    def _(i):
        s = pl.ds(i * _L, _L)
        idx = idx_v[s]
        m = plsc.load_gather(mul_v, [idx])
        bb = plsc.load_gather(bias_v, [idx])
        xx_v[s] = m * x_v[s] + bb

    pltpu.sync_copy(xx_v, out_hbm.at[pl.ds(base, _EPW)])


@functools.cache
def _sc_fma():
    return pl.kernel(
        _sc_fma_body,
        mesh=plsc.VectorSubcoreMesh(core_axis_name="c", subcore_axis_name="s"),
        compiler_params=pltpu.CompilerParams(needs_layout_passes=False),
        out_type=jax.ShapeDtypeStruct((E,), jnp.float32),
        scratch_types=[
            pltpu.VMEM((_EPW,), jnp.int32),
            pltpu.VMEM((_EPW,), jnp.float32),
            pltpu.VMEM((_EPW,), jnp.float32),
            pltpu.VMEM((EDGE_TYPES,), jnp.float32),
            pltpu.VMEM((EDGE_TYPES,), jnp.float32),
            pltpu.SemaphoreType.DMA,
        ],
    )


def _tc_rbf(xx3, meanr, tempr):
    h = ROWS // _NQ
    nstep = h // _RB

    def body(mean_ref, temp_ref, xx_ref, out_ref, scr, sem):
        i = pl.program_id(0)
        mean = mean_ref[0]
        ntemp = -jnp.abs(temp_ref[0]) * _LOG2E
        buf = lax.rem(i, _NBUF)

        @pl.when(i >= _NBUF)
        def _():
            for q in range(_NQ):
                pltpu.make_async_copy(
                    scr.at[buf, q],
                    out_ref.at[q, pl.ds(0, _RB)],
                    sem.at[buf, q],
                ).wait()

        for q in range(_NQ):
            xx = xx_ref[q]
            d = xx[:, :, None] - mean[None, None, :]
            scr[buf, q] = jnp.exp2(d * d * ntemp[None, None, :])
            pltpu.async_copy(
                scr.at[buf, q],
                out_ref.at[q, pl.ds(i * _RB, _RB)],
                sem.at[buf, q],
            )

        @pl.when(i == nstep - 1)
        def _():
            for b in range(_NBUF):
                for q in range(_NQ):
                    pltpu.make_async_copy(
                        scr.at[b, q],
                        out_ref.at[q, pl.ds(0, _RB)],
                        sem.at[b, q],
                    ).wait()

    return pl.pallas_call(
        body,
        grid=(nstep,),
        in_specs=[
            pl.BlockSpec((1, K), lambda i: (0, 0)),
            pl.BlockSpec((1, K), lambda i: (0, 0)),
            pl.BlockSpec((_NQ, _RB, 128), lambda i: (0, i, 0)),
        ],
        out_specs=pl.BlockSpec(memory_space=pl.ANY),
        out_shape=jax.ShapeDtypeStruct((_NQ, h, 128, K), jnp.float32),
        scratch_shapes=[
            pltpu.VMEM((_NBUF, _NQ, _RB, 128, K), jnp.float32),
            pltpu.SemaphoreType.DMA((_NBUF, _NQ)),
        ],
    )(meanr, tempr, xx3)


def kernel(x, edge_types, means, temps, mul_w, bias_w):
    et = edge_types.reshape(E).astype(jnp.int32)
    xf = x.reshape(E).astype(jnp.float32)
    xx = _sc_fma()(et, xf, mul_w.reshape(EDGE_TYPES),
                   bias_w.reshape(EDGE_TYPES))
    out = _tc_rbf(xx.reshape(_NQ, ROWS // _NQ, 128),
                  means.reshape(1, K), temps.reshape(1, K))
    return out.reshape(B, N, N, K).astype(means.dtype)

# --- scband reference (transcript-rebuilt; emitter-appended) ---
"""Pipeline reference for scband-rbf-45698452029973 (READ-ONLY COPY).

The authoritative reference and input builder live on the scoring server;
editing this copy changes nothing except your own understanding.
"""

import jax, jax.numpy as jnp
import numpy as np

K = 128
EDGE_TYPES = 16384
B, N = 4, 256

def setup_inputs(seed: int = 0) -> dict:
    key = jax.random.key(seed)
    k1, k2, k3, k4, k5, k6 = jax.random.split(key, 6)
    x = jax.random.uniform(k1, (B, N, N), dtype=jnp.float32, minval=0.0, maxval=3.0)
    edge_types = jax.random.randint(k2, (B, N, N), 0, EDGE_TYPES, dtype=jnp.int64)
    means = jax.random.uniform(k3, (K,), dtype=jnp.float32, minval=0.0, maxval=3.0)
    temps = jax.random.uniform(k4, (K,), dtype=jnp.float32, minval=0.1, maxval=10.0)
    # nn.Embedding tables; torch init is constant(1)/constant(0); perturb slightly so math is non-degenerate
    mul_w = jnp.ones((EDGE_TYPES, 1), dtype=jnp.float32) + 0.01 * jax.random.normal(k5, (EDGE_TYPES, 1), dtype=jnp.float32)
    bias_w = jnp.zeros((EDGE_TYPES, 1), dtype=jnp.float32) + 0.01 * jax.random.normal(k6, (EDGE_TYPES, 1), dtype=jnp.float32)
    return {"x": x, "edge_types": edge_types, "means": means, "temps": temps, "mul_w": mul_w, "bias_w": bias_w}

def reference(x, edge_types, means, temps, mul_w, bias_w):
    # embedding lookups: gather rows of mul/bias tables by edge type
    mul = jnp.take(mul_w, edge_types, axis=0)    # [B, N, N, 1]
    bias = jnp.take(bias_w, edge_types, axis=0)  # [B, N, N, 1]
    xx = mul * x[..., None] + bias               # [B, N, N, 1]
    mean = means.astype(jnp.float32)             # [K]
    temp = jnp.abs(temps.astype(jnp.float32))    # [K]
    out = jnp.exp(jnp.square(xx - mean) * (-temp))  # [B, N, N, K]
    return out.astype(means.dtype)

if __name__ == "__main__":
    import jax
    _d = setup_inputs()
    print(jax.jit(kernel)(*tuple(_d.values())))

</pallas_src>

<mosaic_0001>
#map = affine_map<(d0, d1) -> (0)>
module attributes {stable_mosaic.version = 14 : i64} {
  func.func @_sc_fma_body(%arg0: i32, %arg1: i32, %arg2: memref<262144xi32, #tpu.memory_space<hbm>>, %arg3: memref<262144xf32, #tpu.memory_space<hbm>>, %arg4: memref<16384xf32, #tpu.memory_space<hbm>>, %arg5: memref<16384xf32, #tpu.memory_space<hbm>>, %arg6: memref<262144xf32, #tpu.memory_space<hbm>>, %arg7: memref<8192xi32, #tpu.memory_space<vmem>>, %arg8: memref<8192xf32, #tpu.memory_space<vmem>>, %arg9: memref<8192xf32, #tpu.memory_space<vmem>>, %arg10: memref<16384xf32, #tpu.memory_space<vmem>>, %arg11: memref<16384xf32, #tpu.memory_space<vmem>>, %arg12: memref<!tpu.dma_semaphore, #tpu.memory_space<semaphore_mem>>) attributes {dimension_semantics = [#tpu.dimension_semantics<core_parallel>, #tpu.dimension_semantics<subcore_parallel>], iteration_bounds = array<i64: 2, 16>, scalar_prefetch = 0 : i64, scratch_operands = 6 : i64, tpu.core_type = #tpu.core_type<sc_vector_subcore>, window_params = [{transform_indices = #map}, {transform_indices = #map}, {transform_indices = #map}, {transform_indices = #map}, {transform_indices = #map}]} {
    %mul3A = arith.constant 2 : i32
    %mul3A_0 = arith.muli %arg1, %mul3A : i32
    %add3A = arith.addi %mul3A_0, %arg0 : i32
    %mul3A_1 = arith.constant 8192 : i32
    %mul3A_2 = arith.muli %add3A, %mul3A_1 : i32
    %dma_start3A = tpu.memref_slice %arg2[%mul3A_2] : memref<262144xi32, #tpu.memory_space<hbm>> -> memref<8192xi32, #tpu.memory_space<hbm>>
    %dma_start3A_3 = tpu.memref_slice %arg2[%mul3A_2] : memref<262144xi32, #tpu.memory_space<hbm>> -> memref<8192xi32, #tpu.memory_space<hbm>>
    tpu.enqueue_dma source(%dma_start3A_3 : memref<8192xi32, #tpu.memory_space<hbm>>) target(%arg7 : memref<8192xi32, #tpu.memory_space<vmem>>) target_semaphore(%arg12 : memref<!tpu.dma_semaphore, #tpu.memory_space<semaphore_mem>>)
    %dma_start3A_4 = tpu.memref_slice %arg3[%mul3A_2] : memref<262144xf32, #tpu.memory_space<hbm>> -> memref<8192xf32, #tpu.memory_space<hbm>>
    %dma_start3A_5 = tpu.memref_slice %arg3[%mul3A_2] : memref<262144xf32, #tpu.memory_space<hbm>> -> memref<8192xf32, #tpu.memory_space<hbm>>
    tpu.enqueue_dma source(%dma_start3A_5 : memref<8192xf32, #tpu.memory_space<hbm>>) target(%arg8 : memref<8192xf32, #tpu.memory_space<vmem>>) target_semaphore(%arg12 : memref<!tpu.dma_semaphore, #tpu.memory_space<semaphore_mem>>)
    tpu.enqueue_dma source(%arg4 : memref<16384xf32, #tpu.memory_space<hbm>>) target(%arg10 : memref<16384xf32, #tpu.memory_space<vmem>>) target_semaphore(%arg12 : memref<!tpu.dma_semaphore, #tpu.memory_space<semaphore_mem>>)
    tpu.enqueue_dma source(%arg5 : memref<16384xf32, #tpu.memory_space<hbm>>) target(%arg11 : memref<16384xf32, #tpu.memory_space<vmem>>) target_semaphore(%arg12 : memref<!tpu.dma_semaphore, #tpu.memory_space<semaphore_mem>>)
    %dma_wait3A = tpu.memref_slice %arg2[%mul3A_2] : memref<262144xi32, #tpu.memory_space<hbm>> -> memref<8192xi32, #tpu.memory_space<hbm>>
    %dma_wait3A_6 = tpu.memref_slice %arg2[%mul3A_2] : memref<262144xi32, #tpu.memory_space<hbm>> -> memref<8192xi32, #tpu.memory_space<hbm>>
    tpu.wait_dma2 semaphore(%arg12 : memref<!tpu.dma_semaphore, #tpu.memory_space<semaphore_mem>>) src(%dma_wait3A_6 : memref<8192xi32, #tpu.memory_space<hbm>>) dst(%arg7 : memref<8192xi32, #tpu.memory_space<vmem>>)
    %dma_wait3A_7 = tpu.memref_slice %arg3[%mul3A_2] : memref<262144xf32, #tpu.memory_space<hbm>> -> memref<8192xf32, #tpu.memory_space<hbm>>
    %dma_wait3A_8 = tpu.memref_slice %arg3[%mul3A_2] : memref<262144xf32, #tpu.memory_space<hbm>> -> memref<8192xf32, #tpu.memory_space<hbm>>
    tpu.wait_dma2 semaphore(%arg12 : memref<!tpu.dma_semaphore, #tpu.memory_space<semaphore_mem>>) src(%dma_wait3A_8 : memref<8192xf32, #tpu.memory_space<hbm>>) dst(%arg8 : memref<8192xf32, #tpu.memory_space<vmem>>)
    tpu.wait_dma2 semaphore(%arg12 : memref<!tpu.dma_semaphore, #tpu.memory_space<semaphore_mem>>) src(%arg4 : memref<16384xf32, #tpu.memory_space<hbm>>) dst(%arg10 : memref<16384xf32, #tpu.memory_space<vmem>>)
    tpu.wait_dma2 semaphore(%arg12 : memref<!tpu.dma_semaphore, #tpu.memory_space<semaphore_mem>>) src(%arg5 : memref<16384xf32, #tpu.memory_space<hbm>>) dst(%arg11 : memref<16384xf32, #tpu.memory_space<vmem>>)
    %parallel_loop3A = arith.constant 0 : i32
    %parallel_loop3A_9 = arith.constant 512 : i32
    %parallel_loop3A_10 = arith.constant 1 : i32
    scf.for %parallel_loop3A_11 = %parallel_loop3A to %parallel_loop3A_9 step %parallel_loop3A_10  : i32 {
      %parallel_loop3A_12 = arith.constant 16 : i32
      %parallel_loop3A_13 = arith.muli %parallel_loop3A_11, %parallel_loop3A_12 : i32
      %parallel_loop3A_14 = arith.index_cast %parallel_loop3A_13 : i32 to index
      %parallel_loop3A_15 = tpu.vector_load %arg7[%parallel_loop3A_14] {strides = array<i32>} : memref<8192xi32, #tpu.memory_space<vmem>>, vector<16xi32>,
      %parallel_loop3A_16 = tpu.vector_load_idx %arg10[%parallel_loop3A_15] : memref<16384xf32, #tpu.memory_space<vmem>>[vector<16xi32>], vector<16xf32>,
      %parallel_loop3A_17 = tpu.vector_load_idx %arg11[%parallel_loop3A_15] : memref<16384xf32, #tpu.memory_space<vmem>>[vector<16xi32>], vector<16xf32>,
      %parallel_loop3A_18 = arith.index_cast %parallel_loop3A_13 : i32 to index
      %parallel_loop3A_19 = tpu.vector_load %arg8[%parallel_loop3A_18] {strides = array<i32>} : memref<8192xf32, #tpu.memory_space<vmem>>, vector<16xf32>,
      %parallel_loop3A_20 = arith.mulf %parallel_loop3A_16, %parallel_loop3A_19 : vector<16xf32>
      %parallel_loop3A_21 = arith.addf %parallel_loop3A_20, %parallel_loop3A_17 : vector<16xf32>
      %parallel_loop3A_22 = arith.index_cast %parallel_loop3A_13 : i32 to index
      %parallel_loop3A_23 = tpu.vector_load %arg9[%parallel_loop3A_22] {strides = array<i32>} : memref<8192xf32, #tpu.memory_space<vmem>>, vector<16xf32>,
      tpu.vector_store %arg9[%parallel_loop3A_22], %parallel_loop3A_21 {strides = array<i32>} : memref<8192xf32, #tpu.memory_space<vmem>>, vector<16xf32>,
    } {sc.loop_unroll_factor = 8 : i64, sc.parallel_access}
    "tpu.region"() ({
      %run_scoped3A = tpu.sem_alloc : memref<!tpu.dma_semaphore, #tpu.memory_space<semaphore_mem>>
      %dma_start3A_11 = tpu.memref_slice %arg6[%mul3A_2] : memref<262144xf32, #tpu.memory_space<hbm>> -> memref<8192xf32, #tpu.memory_space<hbm>>
      %dma_start3A_12 = tpu.memref_slice %arg6[%mul3A_2] : memref<262144xf32, #tpu.memory_space<hbm>> -> memref<8192xf32, #tpu.memory_space<hbm>>
      tpu.enqueue_dma source(%arg9 : memref<8192xf32, #tpu.memory_space<vmem>>) target(%dma_start3A_12 : memref<8192xf32, #tpu.memory_space<hbm>>) target_semaphore(%run_scoped3A : memref<!tpu.dma_semaphore, #tpu.memory_space<semaphore_mem>>)
      %dma_wait3A_13 = tpu.memref_slice %arg6[%mul3A_2] : memref<262144xf32, #tpu.memory_space<hbm>> -> memref<8192xf32, #tpu.memory_space<hbm>>
      %dma_wait3A_14 = tpu.memref_slice %arg6[%mul3A_2] : memref<262144xf32, #tpu.memory_space<hbm>> -> memref<8192xf32, #tpu.memory_space<hbm>>
      tpu.wait_dma2 semaphore(%run_scoped3A : memref<!tpu.dma_semaphore, #tpu.memory_space<semaphore_mem>>) src(%arg9 : memref<8192xf32, #tpu.memory_space<vmem>>) dst(%dma_wait3A_14 : memref<8192xf32, #tpu.memory_space<hbm>>)
      tpu.yield
    }) : () -> ()
    return
  }
}

module attributes {stable_mosaic.version = 14 : i64} {
  func.func @body(%arg0: i32, %arg1: memref<1x128xf32, #tpu.memory_space<vmem>>, %arg2: memref<1x128xf32, #tpu.memory_space<vmem>>, %arg3: memref<8x16x128xf32, #tpu.memory_space<vmem>>, %arg4: memref<8x256x128x128xf32, #tpu.memory_space<any>>, %arg5: memref<2x8x16x128x128xf32, #tpu.memory_space<vmem>>, %arg6: memref<2x8x!tpu.dma_semaphore, #tpu.memory_space<semaphore_mem>>) attributes {dimension_semantics = [#tpu.dimension_semantics<arbitrary>], iteration_bounds = array<i64: 16>, scalar_prefetch = 0 : i64, scratch_operands = 2 : i64, tpu.core_type = #tpu.core_type<tc>, window_params = [{pipeline_mode = #tpu.pipeline_mode<synchronous>, transform_indices = @transform_0, window_bounds = array<i64: 1, 128>}, {pipeline_mode = #tpu.pipeline_mode<synchronous>, transform_indices = @transform_1, window_bounds = array<i64: 1, 128>}, {transform_indices = @transform_2, window_bounds = array<i64: 8, 16, 128>}, {}]} {
    %get3A = arith.constant 0 : index
    %get3A_0 = arith.constant 0 : index
    %get3A_1 = vector.load %arg1[%get3A, %get3A_0] : memref<1x128xf32, #tpu.memory_space<vmem>>, vector<1x128xf32>
    %get3A_2 = vector.shape_cast %get3A_1 : vector<1x128xf32> to vector<128xf32>
    %get3A_3 = arith.constant 0 : index
    %get3A_4 = arith.constant 0 : index
    %get3A_5 = vector.load %arg2[%get3A_3, %get3A_4] : memref<1x128xf32, #tpu.memory_space<vmem>>, vector<1x128xf32>
    %get3A_6 = vector.shape_cast %get3A_5 : vector<1x128xf32> to vector<128xf32>
    %abs3A = math.absf %get3A_6 : vector<128xf32>
    %neg3A = arith.constant 0.000000e+00 : f32
    %neg3A_7 = vector.broadcast %neg3A : f32 to vector<128xf32>
    %neg3A_8 = arith.subf %neg3A_7, %abs3A : vector<128xf32>
    %mul3A = arith.constant 1.44269502 : f32
    %mul3A_9 = vector.broadcast %mul3A : f32 to vector<128xf32>
    %mul3A_10 = arith.mulf %neg3A_8, %mul3A_9 : vector<128xf32>
    %rem3A = arith.constant 2 : i32
    %rem3A_11 = arith.remsi %arg0, %rem3A : i32
    %ge3A = arith.constant 2 : i32
    %ge3A_12 = arith.cmpi sge, %arg0, %ge3A : i32
    %convert_element_type3A = arith.extui %ge3A_12 : i1 to i32
    %cond3A = arith.constant 0 : i32
    %cond3A_13 = arith.cmpi ne, %convert_element_type3A, %cond3A : i32
    scf.if %cond3A_13 {
      %dma_wait3A = arith.constant 0 : i32
      %dma_wait3A_325 = arith.constant 0 : i32
      %dma_wait3A_326 = arith.constant 0 : i32
      %dma_wait3A_327 = tpu.memref_slice %arg6[%rem3A_11, %dma_wait3A_326] : memref<2x8x!tpu.dma_semaphore, #tpu.memory_space<semaphore_mem>> -> memref<1x1x!tpu.dma_semaphore, #tpu.memory_space<semaphore_mem>>
      %dma_wait3A_328 = tpu.memref_squeeze %dma_wait3A_327 : memref<1x1x!tpu.dma_semaphore, #tpu.memory_space<semaphore_mem>> -> memref<!tpu.dma_semaphore, #tpu.memory_space<semaphore_mem>>
      %dma_wait3A_329 = arith.constant 0 : i32
      %dma_wait3A_330 = arith.constant 0 : i32
      %dma_wait3A_331 = arith.constant 0 : i32
      %dma_wait3A_332 = tpu.memref_slice %arg4[%dma_wait3A_325, %dma_wait3A_329, %dma_wait3A_330, %dma_wait3A_331] : memref<8x256x128x128xf32, #tpu.memory_space<any>> -> memref<1x16x128x128xf32, #tpu.memory_space<any>>
      %dma_wait3A_333 = tpu.memref_squeeze %dma_wait3A_332 : memref<1x16x128x128xf32, #tpu.memory_space<any>> -> memref<16x128x128xf32, #tpu.memory_space<any>>
      %dma_wait3A_334 = arith.constant 0 : i32
      %dma_wait3A_335 = arith.constant 0 : i32
      %dma_wait3A_336 = arith.constant 0 : i32
      %dma_wait3A_337 = tpu.memref_slice %arg5[%rem3A_11, %dma_wait3A, %dma_wait3A_334, %dma_wait3A_335, %dma_wait3A_336] : memref<2x8x16x128x128xf32, #tpu.memory_space<vmem>> -> memref<1x1x16x128x128xf32, #tpu.memory_space<vmem>>
      %dma_wait3A_338 = tpu.memref_squeeze %dma_wait3A_337 : memref<1x1x16x128x128xf32, #tpu.memory_space<vmem>> -> memref<16x128x128xf32, #tpu.memory_space<vmem>>
      tpu.wait_dma2 semaphore(%dma_wait3A_328 : memref<!tpu.dma_semaphore, #tpu.memory_space<semaphore_mem>>) src(%dma_wait3A_338 : memref<16x128x128xf32, #tpu.memory_space<vmem>>) dst(%dma_wait3A_333 : memref<16x128x128xf32, #tpu.memory_space<any>>)
      %dma_wait3A_339 = arith.constant 1 : i32
      %dma_wait3A_340 = arith.constant 1 : i32
      %dma_wait3A_341 = arith.constant 1 : i32
      %dma_wait3A_342 = tpu.memref_slice %arg6[%rem3A_11, %dma_wait3A_341] : memref<2x8x!tpu.dma_semaphore, #tpu.memory_space<semaphore_mem>> -> memref<1x1x!tpu.dma_semaphore, #tpu.memory_space<semaphore_mem>>
      %dma_wait3A_343 = tpu.memref_squeeze %dma_wait3A_342 : memref<1x1x!tpu.dma_semaphore, #tpu.memory_space<semaphore_mem>> -> memref<!tpu.dma_semaphore, #tpu.memory_space<semaphore_mem>>
      %dma_wait3A_344 = arith.constant 0 : i32
      %dma_wait3A_345 = arith.constant 0 : i32
      %dma_wait3A_346 = arith.constant 0 : i32
      %dma_wait3A_347 = tpu.memref_slice %arg4[%dma_wait3A_340, %dma_wait3A_344, %dma_wait3A_345, %dma_wait3A_346] : memref<8x256x128x128xf32, #tpu.memory_space<any>> -> memref<1x16x128x128xf32, #tpu.memory_space<any>>
      %dma_wait3A_348 = tpu.memref_squeeze %dma_wait3A_347 : memref<1x16x128x128xf32, #tpu.memory_space<any>> -> memref<16x128x128xf32, #tpu.memory_space<any>>
      %dma_wait3A_349 = arith.constant 0 : i32
      %dma_wait3A_350 = arith.constant 0 : i32
      %dma_wait3A_351 = arith.constant 0 : i32
      %dma_wait3A_352 = tpu.memref_slice %arg5[%rem3A_11, %dma_wait3A_339, %dma_wait3A_349, %dma_wait3A_350, %dma_wait3A_351] : memref<2x8x16x128x128xf32, #tpu.memory_space<vmem>> -> memref<1x1x16x128x128xf32, #tpu.memory_space<vmem>>
      %dma_wait3A_353 = tpu.memref_squeeze %dma_wait3A_352 : memref<1x1x16x128x128xf32, #tpu.memory_space<vmem>> -> memref<16x128x128xf32, #tpu.memory_space<vmem>>
      tpu.wait_dma2 semaphore(%dma_wait3A_343 : memref<!tpu.dma_semaphore, #tpu.memory_space<semaphore_mem>>) src(%dma_wait3A_353 : memref<16x128x128xf32, #tpu.memory_space<vmem>>) dst(%dma_wait3A_348 : memref<16x128x128xf32, #tpu.memory_space<any>>)
      %dma_wait3A_354 = arith.constant 2 : i32
      %dma_wait3A_355 = arith.constant 2 : i32
      %dma_wait3A_356 = arith.constant 2 : i32
      %dma_wait3A_357 = tpu.memref_slice %arg6[%rem3A_11, %dma_wait3A_356] : memref<2x8x!tpu.dma_semaphore, #tpu.memory_space<semaphore_mem>> -> memref<1x1x!tpu.dma_semaphore, #tpu.memory_space<semaphore_mem>>
      %dma_wait3A_358 = tpu.memref_squeeze %dma_wait3A_357 : memref<1x1x!tpu.dma_semaphore, #tpu.memory_space<semaphore_mem>> -> memref<!tpu.dma_semaphore, #tpu.memory_space<semaphore_mem>>
      %dma_wait3A_359 = arith.constant 0 : i32
      %dma_wait3A_360 = arith.constant 0 : i32
      %dma_wait3A_361 = arith.constant 0 : i32
      %dma_wait3A_362 = tpu.memref_slice %arg4[%dma_wait3A_355, %dma_wait3A_359, %dma_wait3A_360, %dma_wait3A_361] : memref<8x256x128x128xf32, #tpu.memory_space<any>> -> memref<1x16x128x128xf32, #tpu.memory_space<any>>
      %dma_wait3A_363 = tpu.memref_squeeze %dma_wait3A_362 : memref<1x16x128x128xf32, #tpu.memory_space<any>> -> memref<16x128x128xf32, #tpu.memory_space<any>>
      %dma_wait3A_364 = arith.constant 0 : i32
      %dma_wait3A_365 = arith.constant 0 : i32
      %dma_wait3A_366 = arith.constant 0 : i32
      %dma_wait3A_367 = tpu.memref_slice %arg5[%rem3A_11, %dma_wait3A_354, %dma_wait3A_364, %dma_wait3A_365, %dma_wait3A_366] : memref<2x8x16x128x128xf32, #tpu.memory_space<vmem>> -> memref<1x1x16x128x128xf32, #tpu.memory_space<vmem>>
      %dma_wait3A_368 = tpu.memref_squeeze %dma_wait3A_367 : memref<1x1x16x128x128xf32, #tpu.memory_space<vmem>> -> memref<16x128x128xf32, #tpu.memory_space<vmem>>
      tpu.wait_dma2 semaphore(%dma_wait3A_358 : memref<!tpu.dma_semaphore, #tpu.memory_space<semaphore_mem>>) src(%dma_wait3A_368 : memref<16x128x128xf32, #tpu.memory_space<vmem>>) dst(%dma_wait3A_363 : memref<16x128x128xf32, #tpu.memory_space<any>>)
      %dma_wait3A_369 = arith.constant 3 : i32
      %dma_wait3A_370 = arith.constant 3 : i32
      %dma_wait3A_371 = arith.constant 3 : i32
      %dma_wait3A_372 = tpu.memref_slice %arg6[%rem3A_11, %dma_wait3A_371] : memref<2x8x!tpu.dma_semaphore, #tpu.memory_space<semaphore_mem>> -> memref<1x1x!tpu.dma_semaphore, #tpu.memory_space<semaphore_mem>>
      %dma_wait3A_373 = tpu.memref_squeeze %dma_wait3A_372 : memref<1x1x!tpu.dma_semaphore, #tpu.memory_space<semaphore_mem>> -> memref<!tpu.dma_semaphore, #tpu.memory_space<semaphore_mem>>
      %dma_wait3A_374 = arith.constant 0 : i32
      %dma_wait3A_375 = arith.constant 0 : i32
      %dma_wait3A_376 = arith.constant 0 : i32
      %dma_wait3A_377 = tpu.memref_slice %arg4[%dma_wait3A_370, %dma_wait3A_374, %dma_wait3A_375, %dma_wait3A_376] : memref<8x256x128x128xf32, #tpu.memory_space<any>> -> memref<1x16x128x128xf32, #tpu.memory_space<any>>
      %dma_wait3A_378 = tpu.memref_squeeze %dma_wait3A_377 : memref<1x16x128x128xf32, #tpu.memory_space<any>> -> memref<16x128x128xf32, #tpu.memory_space<any>>
      %dma_wait3A_379 = arith.constant 0 : i32
      %dma_wait3A_380 = arith.constant 0 : i32
      %dma_wait3A_381 = arith.constant 0 : i32
      %dma_wait3A_382 = tpu.memref_slice %arg5[%rem3A_11, %dma_wait3A_369, %dma_wait3A_379, %dma_wait3A_380, %dma_wait3A_381] : memref<2x8x16x128x128xf32, #tpu.memory_space<vmem>> -> memref<1x1x16x128x128xf32, #tpu.memory_space<vmem>>
      %dma_wait3A_383 = tpu.memref_squeeze %dma_wait3A_382 : memref<1x1x16x128x128xf32, #tpu.memory_space<vmem>> -> memref<16x128x128xf32, #tpu.memory_space<vmem>>
      tpu.wait_dma2 semaphore(%dma_wait3A_373 : memref<!tpu.dma_semaphore, #tpu.memory_space<semaphore_mem>>) src(%dma_wait3A_383 : memref<16x128x128xf32, #tpu.memory_space<vmem>>) dst(%dma_wait3A_378 : memref<16x128x128xf32, #tpu.memory_space<any>>)
      %dma_wait3A_384 = arith.constant 4 : i32
      %dma_wait3A_385 = arith.constant 4 : i32
      %dma_wait3A_386 = arith.constant 4 : i32
      %dma_wait3A_387 = tpu.memref_slice %arg6[%rem3A_11, %dma_wait3A_386] : memref<2x8x!tpu.dma_semaphore, #tpu.memory_space<semaphore_mem>> -> memref<1x1x!tpu.dma_semaphore, #tpu.memory_space<semaphore_mem>>
      %dma_wait3A_388 = tpu.memref_squeeze %dma_wait3A_387 : memref<1x1x!tpu.dma_semaphore, #tpu.memory_space<semaphore_mem>> -> memref<!tpu.dma_semaphore, #tpu.memory_space<semaphore_mem>>
      %dma_wait3A_389 = arith.constant 0 : i32
      %dma_wait3A_390 = arith.constant 0 : i32
      %dma_wait3A_391 = arith.constant 0 : i32
      %dma_wait3A_392 = tpu.memref_slice %arg4[%dma_wait3A_385, %dma_wait3A_389, %dma_wait3A_390, %dma_wait3A_391] : memref<8x256x128x128xf32, #tpu.memory_space<any>> -> memref<1x16x128x128xf32, #tpu.memory_space<any>>
      %dma_wait3A_393 = tpu.memref_squeeze %dma_wait3A_392 : memref<1x16x128x128xf32, #tpu.memory_space<any>> -> memref<16x128x128xf32, #tpu.memory_space<any>>
      %dma_wait3A_394 = arith.constant 0 : i32
      %dma_wait3A_395 = arith.constant 0 : i32
      %dma_wait3A_396 = arith.constant 0 : i32
      %dma_wait3A_397 = tpu.memref_slice %arg5[%rem3A_11, %dma_wait3A_384, %dma_wait3A_394, %dma_wait3A_395, %dma_wait3A_396] : memref<2x8x16x128x128xf32, #tpu.memory_space<vmem>> -> memref<1x1x16x128x128xf32, #tpu.memory_space<vmem>>
      %dma_wait3A_398 = tpu.memref_squeeze %dma_wait3A_397 : memref<1x1x16x128x128xf32, #tpu.memory_space<vmem>> -> memref<16x128x128xf32, #tpu.memory_space<vmem>>
      tpu.wait_dma2 semaphore(%dma_wait3A_388 : memref<!tpu.dma_semaphore, #tpu.memory_space<semaphore_mem>>) src(%dma_wait3A_398 : memref<16x128x128xf32, #tpu.memory_space<vmem>>) dst(%dma_wait3A_393 : memref<16x128x128xf32, #tpu.memory_space<any>>)
      %dma_wait3A_399 = arith.constant 5 : i32
      %dma_wait3A_400 = arith.constant 5 : i32
      %dma_wait3A_401 = arith.constant 5 : i32
      %dma_wait3A_402 = tpu.memref_slice %arg6[%rem3A_11, %dma_wait3A_401] : memref<2x8x!tpu.dma_semaphore, #tpu.memory_space<semaphore_mem>> -> memref<1x1x!tpu.dma_semaphore, #tpu.memory_space<semaphore_mem>>
      %dma_wait3A_403 = tpu.memref_squeeze %dma_wait3A_402 : memref<1x1x!tpu.dma_semaphore, #tpu.memory_space<semaphore_mem>> -> memref<!tpu.dma_semaphore, #tpu.memory_space<semaphore_mem>>
      %dma_wait3A_404 = arith.constant 0 : i32
      %dma_wait3A_405 = arith.constant 0 : i32
      %dma_wait3A_406 = arith.constant 0 : i32
      %dma_wait3A_407 = tpu.memref_slice %arg4[%dma_wait3A_400, %dma_wait3A_404, %dma_wait3A_405, %dma_wait3A_406] : memref<8x256x128x128xf32, #tpu.memory_space<any>> -> memref<1x16x128x128xf32, #tpu.memory_space<any>>
      %dma_wait3A_408 = tpu.memref_squeeze %dma_wait3A_407 : memref<1x16x128x128xf32, #tpu.memory_space<any>> -> memref<16x128x128xf32, #tpu.memory_space<any>>
      %dma_wait3A_409 = arith.constant 0 : i32
      %dma_wait3A_410 = arith.constant 0 : i32
      %dma_wait3A_411 = arith.constant 0 : i32
      %dma_wait3A_412 = tpu.memref_slice %arg5[%rem3A_11, %dma_wait3A_399, %dma_wait3A_409, %dma_wait3A_410, %dma_wait3A_411] : memref<2x8x16x128x128xf32, #tpu.memory_space<vmem>> -> memref<1x1x16x128x128xf32, #tpu.memory_space<vmem>>
      %dma_wait3A_413 = tpu.memref_squeeze %dma_wait3A_412 : memref<1x1x16x128x128xf32, #tpu.memory_space<vmem>> -> memref<16x128x128xf32, #tpu.memory_space<vmem>>
      tpu.wait_dma2 semaphore(%dma_wait3A_403 : memref<!tpu.dma_semaphore, #tpu.memory_space<semaphore_mem>>) src(%dma_wait3A_413 : memref<16x128x128xf32, #tpu.memory_space<vmem>>) dst(%dma_wait3A_408 : memref<16x128x128xf32, #tpu.memory_space<any>>)
      %dma_wait3A_414 = arith.constant 6 : i32
      %dma_wait3A_415 = arith.constant 6 : i32
      %dma_wait3A_416 = arith.constant 6 : i32
      %dma_wait3A_417 = tpu.memref_slice %arg6[%rem3A_11, %dma_wait3A_416] : memref<2x8x!tpu.dma_semaphore, #tpu.memory_space<semaphore_mem>> -> memref<1x1x!tpu.dma_semaphore, #tpu.memory_space<semaphore_mem>>
      %dma_wait3A_418 = tpu.memref_squeeze %dma_wait3A_417 : memref<1x1x!tpu.dma_semaphore, #tpu.memory_space<semaphore_mem>> -> memref<!tpu.dma_semaphore, #tpu.memory_space<semaphore_mem>>
      %dma_wait3A_419 = arith.constant 0 : i32
      %dma_wait3A_420 = arith.constant 0 : i32
      %dma_wait3A_421 = arith.constant 0 : i32
      %dma_wait3A_422 = tpu.memref_slice %arg4[%dma_wait3A_415, %dma_wait3A_419, %dma_wait3A_420, %dma_wait3A_421] : memref<8x256x128x128xf32, #tpu.memory_space<any>> -> memref<1x16x128x128xf32, #tpu.memory_space<any>>
      %dma_wait3A_423 = tpu.memref_squeeze %dma_wait3A_422 : memref<1x16x128x128xf32, #tpu.memory_space<any>> -> memref<16x128x128xf32, #tpu.memory_space<any>>
      %dma_wait3A_424 = arith.constant 0 : i32
      %dma_wait3A_425 = arith.constant 0 : i32
      %dma_wait3A_426 = arith.constant 0 : i32
      %dma_wait3A_427 = tpu.memref_slice %arg5[%rem3A_11, %dma_wait3A_414, %dma_wait3A_424, %dma_wait3A_425, %dma_wait3A_426] : memref<2x8x16x128x128xf32, #tpu.memory_space<vmem>> -> memref<1x1x16x128x128xf32, #tpu.memory_space<vmem>>
      %dma_wait3A_428 = tpu.memref_squeeze %dma_wait3A_427 : memref<1x1x16x128x128xf32, #tpu.memory_space<vmem>> -> memref<16x128x128xf32, #tpu.memory_space<vmem>>
      tpu.wait_dma2 semaphore(%dma_wait3A_418 : memref<!tpu.dma_semaphore, #tpu.memory_space<semaphore_mem>>) src(%dma_wait3A_428 : memref<16x128x128xf32, #tpu.memory_space<vmem>>) dst(%dma_wait3A_423 : memref<16x128x128xf32, #tpu.memory_space<any>>)
      %dma_wait3A_429 = arith.constant 7 : i32
      %dma_wait3A_430 = arith.constant 7 : i32
      %dma_wait3A_431 = arith.constant 7 : i32
      %dma_wait3A_432 = tpu.memref_slice %arg6[%rem3A_11, %dma_wait3A_431] : memref<2x8x!tpu.dma_semaphore, #tpu.memory_space<semaphore_mem>> -> memref<1x1x!tpu.dma_semaphore, #tpu.memory_space<semaphore_mem>>
      %dma_wait3A_433 = tpu.memref_squeeze %dma_wait3A_432 : memref<1x1x!tpu.dma_semaphore, #tpu.memory_space<semaphore_mem>> -> memref<!tpu.dma_semaphore, #tpu.memory_space<semaphore_mem>>
      %dma_wait3A_434 = arith.constant 0 : i32
      %dma_wait3A_435 = arith.constant 0 : i32
      %dma_wait3A_436 = arith.constant 0 : i32
      %dma_wait3A_437 = tpu.memref_slice %arg4[%dma_wait3A_430, %dma_wait3A_434, %dma_wait3A_435, %dma_wait3A_436] : memref<8x256x128x128xf32, #tpu.memory_space<any>> -> memref<1x16x128x128xf32, #tpu.memory_space<any>>
      %dma_wait3A_438 = tpu.memref_squeeze %dma_wait3A_437 : memref<1x16x128x128xf32, #tpu.memory_space<any>> -> memref<16x128x128xf32, #tpu.memory_space<any>>
      %dma_wait3A_439 = arith.constant 0 : i32
      %dma_wait3A_440 = arith.constant 0 : i32
      %dma_wait3A_441 = arith.constant 0 : i32
      %dma_wait3A_442 = tpu.memref_slice %arg5[%rem3A_11, %dma_wait3A_429, %dma_wait3A_439, %dma_wait3A_440, %dma_wait3A_441] : memref<2x8x16x128x128xf32, #tpu.memory_space<vmem>> -> memref<1x1x16x128x128xf32, #tpu.memory_space<vmem>>
      %dma_wait3A_443 = tpu.memref_squeeze %dma_wait3A_442 : memref<1x1x16x128x128xf32, #tpu.memory_space<vmem>> -> memref<16x128x128xf32, #tpu.memory_space<vmem>>
      tpu.wait_dma2 semaphore(%dma_wait3A_433 : memref<!tpu.dma_semaphore, #tpu.memory_space<semaphore_mem>>) src(%dma_wait3A_443 : memref<16x128x128xf32, #tpu.memory_space<vmem>>) dst(%dma_wait3A_438 : memref<16x128x128xf32, #tpu.memory_space<any>>)
    } else {
    }
    %get3A_14 = arith.constant 0 : index
    %get3A_15 = arith.constant 0 : index
    %get3A_16 = arith.constant 0 : index
    %get3A_17 = vector.load %arg3[%get3A_14, %get3A_15, %get3A_16] : memref<8x16x128xf32, #tpu.memory_space<vmem>>, vector<1x16x128xf32>
    %get3A_18 = vector.shape_cast %get3A_17 : vector<1x16x128xf32> to vector<16x128xf32>
    %broadcast_in_dim3A = vector.shape_cast %get3A_18 : vector<16x128xf32> to vector<16x128x1xf32>
    %broadcast_in_dim3A_19 = vector.shape_cast %get3A_2 : vector<128xf32> to vector<1x1x128xf32>
    %sub3A = vector.broadcast %broadcast_in_dim3A : vector<16x128x1xf32> to vector<16x128x128xf32>
    %sub3A_20 = vector.broadcast %broadcast_in_dim3A_19 : vector<1x1x128xf32> to vector<16x128x128xf32>
    %sub3A_21 = arith.subf %sub3A, %sub3A_20 : vector<16x128x128xf32>
    %mul3A_22 = arith.mulf %sub3A_21, %sub3A_21 : vector<16x128x128xf32>
    %broadcast_in_dim3A_23 = vector.shape_cast %mul3A_10 : vector<128xf32> to vector<1x1x128xf32>
    %mul3A_24 = vector.broadcast %broadcast_in_dim3A_23 : vector<1x1x128xf32> to vector<16x128x128xf32>
    %mul3A_25 = arith.mulf %mul3A_22, %mul3A_24 : vector<16x128x128xf32>
    %exp23A = math.exp2 %mul3A_25 : vector<16x128x128xf32>
    %swap3A = arith.index_cast %rem3A_11 : i32 to index
    %swap3A_26 = arith.constant 0 : index
    %swap3A_27 = arith.constant 0 : index
    %swap3A_28 = arith.constant 0 : index
    %swap3A_29 = arith.constant 0 : index
    %swap3A_30 = vector.load %arg5[%swap3A, %swap3A_26, %swap3A_27, %swap3A_28, %swap3A_29] : memref<2x8x16x128x128xf32, #tpu.memory_space<vmem>>, vector<1x1x16x128x128xf32>
    %swap3A_31 = vector.shape_cast %swap3A_30 : vector<1x1x16x128x128xf32> to vector<16x128x128xf32>
    %swap3A_32 = vector.shape_cast %exp23A : vector<16x128x128xf32> to vector<1x1x16x128x128xf32>
    tpu.vector_store %arg5[%swap3A, %swap3A_26, %swap3A_27, %swap3A_28, %swap3A_29], %swap3A_32 {strides = array<i32>} : memref<2x8x16x128x128xf32, #tpu.memory_space<vmem>>, vector<1x1x16x128x128xf32>,
    %mul3A_33 = arith.constant 16 : i32
    %mul3A_34 = arith.muli %arg0, %mul3A_33 : i32
    %dma_start3A = arith.constant 0 : i32
    %dma_start3A_35 = arith.constant 0 : i32
    %dma_start3A_36 = arith.constant 0 : i32
    %dma_start3A_37 = tpu.memref_slice %arg6[%rem3A_11, %dma_start3A_36] : memref<2x8x!tpu.dma_semaphore, #tpu.memory_space<semaphore_mem>> -> memref<1x1x!tpu.dma_semaphore, #tpu.memory_space<semaphore_mem>>
    %dma_start3A_38 = tpu.memref_squeeze %dma_start3A_37 : memref<1x1x!tpu.dma_semaphore, #tpu.memory_space<semaphore_mem>> -> memref<!tpu.dma_semaphore, #tpu.memory_space<semaphore_mem>>
    %dma_start3A_39 = arith.constant 0 : i32
    %dma_start3A_40 = arith.constant 0 : i32
    %dma_start3A_41 = tpu.memref_slice %arg4[%dma_start3A_35, %mul3A_34, %dma_start3A_39, %dma_start3A_40] : memref<8x256x128x128xf32, #tpu.memory_space<any>> -> memref<1x16x128x128xf32, #tpu.memory_space<any>>
    %dma_start3A_42 = tpu.memref_squeeze %dma_start3A_41 : memref<1x16x128x128xf32, #tpu.memory_space<any>> -> memref<16x128x128xf32, #tpu.memory_space<any>>
    %dma_start3A_43 = arith.constant 0 : i32
    %dma_start3A_44 = arith.constant 0 : i32
    %dma_start3A_45 = arith.constant 0 : i32
    %dma_start3A_46 = tpu.memref_slice %arg5[%rem3A_11, %dma_start3A, %dma_start3A_43, %dma_start3A_44, %dma_start3A_45] : memref<2x8x16x128x128xf32, #tpu.memory_space<vmem>> -> memref<1x1x16x128x128xf32, #tpu.memory_space<vmem>>
    %dma_start3A_47 = tpu.memref_squeeze %dma_start3A_46 : memref<1x1x16x128x128xf32, #tpu.memory_space<vmem>> -> memref<16x128x128xf32, #tpu.memory_space<vmem>>
    tpu.enqueue_dma source(%dma_start3A_47 : memref<16x128x128xf32, #tpu.memory_space<vmem>>) target(%dma_start3A_42 : memref<16x128x128xf32, #tpu.memory_space<any>>) target_semaphore(%dma_start3A_38 : memref<!tpu.dma_semaphore, #tpu.memory_space<semaphore_mem>>)
    %get3A_48 = arith.constant 1 : index
    %get3A_49 = arith.constant 0 : index
    %get3A_50 = arith.constant 0 : index
    %get3A_51 = vector.load %arg3[%get3A_48, %get3A_49, %get3A_50] : memref<8x16x128xf32, #tpu.memory_space<vmem>>, vector<1x16x128xf32>
    %get3A_52 = vector.shape_cast %get3A_51 : vector<1x16x128xf32> to vector<16x128xf32>
    %broadcast_in_dim3A_53 = vector.shape_cast %get3A_52 : vector<16x128xf32> to vector<16x128x1xf32>
    %broadcast_in_dim3A_54 = vector.shape_cast %get3A_2 : vector<128xf32> to vector<1x1x128xf32>
    %sub3A_55 = vector.broadcast %broadcast_in_dim3A_53 : vector<16x128x1xf32> to vector<16x128x128xf32>
    %sub3A_56 = vector.broadcast %broadcast_in_dim3A_54 : vector<1x1x128xf32> to vector<16x128x128xf32>
    %sub3A_57 = arith.subf %sub3A_55, %sub3A_56 : vector<16x128x128xf32>
    %mul3A_58 = arith.mulf %sub3A_57, %sub3A_57 : vector<16x128x128xf32>
    %broadcast_in_dim3A_59 = vector.shape_cast %mul3A_10 : vector<128xf32> to vector<1x1x128xf32>
    %mul3A_60 = vector.broadcast %broadcast_in_dim3A_59 : vector<1x1x128xf32> to vector<16x128x128xf32>
    %mul3A_61 = arith.mulf %mul3A_58, %mul3A_60 : vector<16x128x128xf32>
    %exp23A_62 = math.exp2 %mul3A_61 : vector<16x128x128xf32>
    %swap3A_63 = arith.index_cast %rem3A_11 : i32 to index
    %swap3A_64 = arith.constant 1 : index
    %swap3A_65 = arith.constant 0 : index
    %swap3A_66 = arith.constant 0 : index
    %swap3A_67 = arith.constant 0 : index
    %swap3A_68 = vector.load %arg5[%swap3A_63, %swap3A_64, %swap3A_65, %swap3A_66, %swap3A_67] : memref<2x8x16x128x128xf32, #tpu.memory_space<vmem>>, vector<1x1x16x128x128xf32>
    %swap3A_69 = vector.shape_cast %swap3A_68 : vector<1x1x16x128x128xf32> to vector<16x128x128xf32>
    %swap3A_70 = vector.shape_cast %exp23A_62 : vector<16x128x128xf32> to vector<1x1x16x128x128xf32>
    tpu.vector_store %arg5[%swap3A_63, %swap3A_64, %swap3A_65, %swap3A_66, %swap3A_67], %swap3A_70 {strides = array<i32>} : memref<2x8x16x128x128xf32, #tpu.memory_space<vmem>>, vector<1x1x16x128x128xf32>,
    %mul3A_71 = arith.constant 16 : i32
    %mul3A_72 = arith.muli %arg0, %mul3A_71 : i32
    %dma_start3A_73 = arith.constant 1 : i32
    %dma_start3A_74 = arith.constant 1 : i32
    %dma_start3A_75 = arith.constant 1 : i32
    %dma_start3A_76 = tpu.memref_slice %arg6[%rem3A_11, %dma_start3A_75] : memref<2x8x!tpu.dma_semaphore, #tpu.memory_space<semaphore_mem>> -> memref<1x1x!tpu.dma_semaphore, #tpu.memory_space<semaphore_mem>>
    %dma_start3A_77 = tpu.memref_squeeze %dma_start3A_76 : memref<1x1x!tpu.dma_semaphore, #tpu.memory_space<semaphore_mem>> -> memref<!tpu.dma_semaphore, #tpu.memory_space<semaphore_mem>>
    %dma_start3A_78 = arith.constant 0 : i32
    %dma_start3A_79 = arith.constant 0 : i32
    %dma_start3A_80 = tpu.memref_slice %arg4[%dma_start3A_74, %mul3A_72, %dma_start3A_78, %dma_start3A_79] : memref<8x256x128x128xf32, #tpu.memory_space<any>> -> memref<1x16x128x128xf32, #tpu.memory_space<any>>
    %dma_start3A_81 = tpu.memref_squeeze %dma_start3A_80 : memref<1x16x128x128xf32, #tpu.memory_space<any>> -> memref<16x128x128xf32, #tpu.memory_space<any>>
    %dma_start3A_82 = arith.constant 0 : i32
    %dma_start3A_83 = arith.constant 0 : i32
    %dma_start3A_84 = arith.constant 0 : i32
    %dma_start3A_85 = tpu.memref_slice %arg5[%rem3A_11, %dma_start3A_73, %dma_start3A_82, %dma_start3A_83, %dma_start3A_84] : memref<2x8x16x128x128xf32, #tpu.memory_space<vmem>> -> memref<1x1x16x128x128xf32, #tpu.memory_space<vmem>>
    %dma_start3A_86 = tpu.memref_squeeze %dma_start3A_85 : memref<1x1x16x128x128xf32, #tpu.memory_space<vmem>> -> memref<16x128x128xf32, #tpu.memory_space<vmem>>
    tpu.enqueue_dma source(%dma_start3A_86 : memref<16x128x128xf32, #tpu.memory_space<vmem>>) target(%dma_start3A_81 : memref<16x128x128xf32, #tpu.memory_space<any>>) target_semaphore(%dma_start3A_77 : memref<!tpu.dma_semaphore, #tpu.memory_space<semaphore_mem>>)
    %get3A_87 = arith.constant 2 : index
    %get3A_88 = arith.constant 0 : index
    %get3A_89 = arith.constant 0 : index
    %get3A_90 = vector.load %arg3[%get3A_87, %get3A_88, %get3A_89] : memref<8x16x128xf32, #tpu.memory_space<vmem>>, vector<1x16x128xf32>
    %get3A_91 = vector.shape_cast %get3A_90 : vector<1x16x128xf32> to vector<16x128xf32>
    %broadcast_in_dim3A_92 = vector.shape_cast %get3A_91 : vector<16x128xf32> to vector<16x128x1xf32>
    %broadcast_in_dim3A_93 = vector.shape_cast %get3A_2 : vector<128xf32> to vector<1x1x128xf32>
    %sub3A_94 = vector.broadcast %broadcast_in_dim3A_92 : vector<16x128x1xf32> to vector<16x128x128xf32>
    %sub3A_95 = vector.broadcast %broadcast_in_dim3A_93 : vector<1x1x128xf32> to vector<16x128x128xf32>
    %sub3A_96 = arith.subf %sub3A_94, %sub3A_95 : vector<16x128x128xf32>
    %mul3A_97 = arith.mulf %sub3A_96, %sub3A_96 : vector<16x128x128xf32>
    %broadcast_in_dim3A_98 = vector.shape_cast %mul3A_10 : vector<128xf32> to vector<1x1x128xf32>
    %mul3A_99 = vector.broadcast %broadcast_in_dim3A_98 : vector<1x1x128xf32> to vector<16x128x128xf32>
    %mul3A_100 = arith.mulf %mul3A_97, %mul3A_99 : vector<16x128x128xf32>
    %exp23A_101 = math.exp2 %mul3A_100 : vector<16x128x128xf32>
    %swap3A_102 = arith.index_cast %rem3A_11 : i32 to index
    %swap3A_103 = arith.constant 2 : index
    %swap3A_104 = arith.constant 0 : index
    %swap3A_105 = arith.constant 0 : index
    %swap3A_106 = arith.constant 0 : index
    %swap3A_107 = vector.load %arg5[%swap3A_102, %swap3A_103, %swap3A_104, %swap3A_105, %swap3A_106] : memref<2x8x16x128x128xf32, #tpu.memory_space<vmem>>, vector<1x1x16x128x128xf32>
    %swap3A_108 = vector.shape_cast %swap3A_107 : vector<1x1x16x128x128xf32> to vector<16x128x128xf32>
    %swap3A_109 = vector.shape_cast %exp23A_101 : vector<16x128x128xf32> to vector<1x1x16x128x128xf32>
    tpu.vector_store %arg5[%swap3A_102, %swap3A_103, %swap3A_104, %swap3A_105, %swap3A_106], %swap3A_109 {strides = array<i32>} : memref<2x8x16x128x128xf32, #tpu.memory_space<vmem>>, vector<1x1x16x128x128xf32>,
    %mul3A_110 = arith.constant 16 : i32
    %mul3A_111 = arith.muli %arg0, %mul3A_110 : i32
    %dma_start3A_112 = arith.constant 2 : i32
    %dma_start3A_113 = arith.constant 2 : i32
    %dma_start3A_114 = arith.constant 2 : i32
    %dma_start3A_115 = tpu.memref_slice %arg6[%rem3A_11, %dma_start3A_114] : memref<2x8x!tpu.dma_semaphore, #tpu.memory_space<semaphore_mem>> -> memref<1x1x!tpu.dma_semaphore, #tpu.memory_space<semaphore_mem>>
    %dma_start3A_116 = tpu.memref_squeeze %dma_start3A_115 : memref<1x1x!tpu.dma_semaphore, #tpu.memory_space<semaphore_mem>> -> memref<!tpu.dma_semaphore, #tpu.memory_space<semaphore_mem>>
    %dma_start3A_117 = arith.constant 0 : i32
    %dma_start3A_118 = arith.constant 0 : i32
    %dma_start3A_119 = tpu.memref_slice %arg4[%dma_start3A_113, %mul3A_111, %dma_start3A_117, %dma_start3A_118] : memref<8x256x128x128xf32, #tpu.memory_space<any>> -> memref<1x16x128x128xf32, #tpu.memory_space<any>>
    %dma_start3A_120 = tpu.memref_squeeze %dma_start3A_119 : memref<1x16x128x128xf32, #tpu.memory_space<any>> -> memref<16x128x128xf32, #tpu.memory_space<any>>
    %dma_start3A_121 = arith.constant 0 : i32
    %dma_start3A_122 = arith.constant 0 : i32
    %dma_start3A_123 = arith.constant 0 : i32
    %dma_start3A_124 = tpu.memref_slice %arg5[%rem3A_11, %dma_start3A_112, %dma_start3A_121, %dma_start3A_122, %dma_start3A_123] : memref<2x8x16x128x128xf32, #tpu.memory_space<vmem>> -> memref<1x1x16x128x128xf32, #tpu.memory_space<vmem>>
    %dma_start3A_125 = tpu.memref_squeeze %dma_start3A_124 : memref<1x1x16x128x128xf32, #tpu.memory_space<vmem>> -> memref<16x128x128xf32, #tpu.memory_space<vmem>>
    tpu.enqueue_dma source(%dma_start3A_125 : memref<16x128x128xf32, #tpu.memory_space<vmem>>) target(%dma_start3A_120 : memref<16x128x128xf32, #tpu.memory_space<any>>) target_semaphore(%dma_start3A_116 : memref<!tpu.dma_semaphore, #tpu.memory_space<semaphore_mem>>)
    %get3A_126 = arith.constant 3 : index
    %get3A_127 = arith.constant 0 : index
    %get3A_128 = arith.constant 0 : index
    %get3A_129 = vector.load %arg3[%get3A_126, %get3A_127, %get3A_128] : memref<8x16x128xf32, #tpu.memory_space<vmem>>, vector<1x16x128xf32>
    %get3A_130 = vector.shape_cast %get3A_129 : vector<1x16x128xf32> to vector<16x128xf32>
    %broadcast_in_dim3A_131 = vector.shape_cast %get3A_130 : vector<16x128xf32> to vector<16x128x1xf32>
    %broadcast_in_dim3A_132 = vector.shape_cast %get3A_2 : vector<128xf32> to vector<1x1x128xf32>
    %sub3A_133 = vector.broadcast %broadcast_in_dim3A_131 : vector<16x128x1xf32> to vector<16x128x128xf32>
    %sub3A_134 = vector.broadcast %broadcast_in_dim3A_132 : vector<1x1x128xf32> to vector<16x128x128xf32>
    %sub3A_135 = arith.subf %sub3A_133, %sub3A_134 : vector<16x128x128xf32>
    %mul3A_136 = arith.mulf %sub3A_135, %sub3A_135 : vector<16x128x128xf32>
    %broadcast_in_dim3A_137 = vector.shape_cast %mul3A_10 : vector<128xf32> to vector<1x1x128xf32>
    %mul3A_138 = vector.broadcast %broadcast_in_dim3A_137 : vector<1x1x128xf32> to vector<16x128x128xf32>
    %mul3A_139 = arith.mulf %mul3A_136, %mul3A_138 : vector<16x128x128xf32>
    %exp23A_140 = math.exp2 %mul3A_139 : vector<16x128x128xf32>
    %swap3A_141 = arith.index_cast %rem3A_11 : i32 to index
    %swap3A_142 = arith.constant 3 : index
    %swap3A_143 = arith.constant 0 : index
    %swap3A_144 = arith.constant 0 : index
    %swap3A_145 = arith.constant 0 : index
    %swap3A_146 = vector.load %arg5[%swap3A_141, %swap3A_142, %swap3A_143, %swap3A_144, %swap3A_145] : memref<2x8x16x128x128xf32, #tpu.memory_space<vmem>>, vector<1x1x16x128x128xf32>
    %swap3A_147 = vector.shape_cast %swap3A_146 : vector<1x1x16x128x128xf32> to vector<16x128x128xf32>
    %swap3A_148 = vector.shape_cast %exp23A_140 : vector<16x128x128xf32> to vector<1x1x16x128x128xf32>
    tpu.vector_store %arg5[%swap3A_141, %swap3A_142, %swap3A_143, %swap3A_144, %swap3A_145], %swap3A_148 {strides = array<i32>} : memref<2x8x16x128x128xf32, #tpu.memory_space<vmem>>, vector<1x1x16x128x128xf32>,
    %mul3A_149 = arith.constant 16 : i32
    %mul3A_150 = arith.muli %arg0, %mul3A_149 : i32
    %dma_start3A_151 = arith.constant 3 : i32
    %dma_start3A_152 = arith.constant 3 : i32
    %dma_start3A_153 = arith.constant 3 : i32
    %dma_start3A_154 = tpu.memref_slice %arg6[%rem3A_11, %dma_start3A_153] : memref<2x8x!tpu.dma_semaphore, #tpu.memory_space<semaphore_mem>> -> memref<1x1x!tpu.dma_semaphore, #tpu.memory_space<semaphore_mem>>
    %dma_start3A_155 = tpu.memref_squeeze %dma_start3A_154 : memref<1x1x!tpu.dma_semaphore, #tpu.memory_space<semaphore_mem>> -> memref<!tpu.dma_semaphore, #tpu.memory_space<semaphore_mem>>
    %dma_start3A_156 = arith.constant 0 : i32
    %dma_start3A_157 = arith.constant 0 : i32
    %dma_start3A_158 = tpu.memref_slice %arg4[%dma_start3A_152, %mul3A_150, %dma_start3A_156, %dma_start3A_157] : memref<8x256x128x128xf32, #tpu.memory_space<any>> -> memref<1x16x128x128xf32, #tpu.memory_space<any>>
    %dma_start3A_159 = tpu.memref_squeeze %dma_start3A_158 : memref<1x16x128x128xf32, #tpu.memory_space<any>> -> memref<16x128x128xf32, #tpu.memory_space<any>>
    %dma_start3A_160 = arith.constant 0 : i32
    %dma_start3A_161 = arith.constant 0 : i32
    %dma_start3A_162 = arith.constant 0 : i32
    %dma_start3A_163 = tpu.memref_slice %arg5[%rem3A_11, %dma_start3A_151, %dma_start3A_160, %dma_start3A_161, %dma_start3A_162] : memref<2x8x16x128x128xf32, #tpu.memory_space<vmem>> -> memref<1x1x16x128x128xf32, #tpu.memory_space<vmem>>
    %dma_start3A_164 = tpu.memref_squeeze %dma_start3A_163 : memref<1x1x16x128x128xf32, #tpu.memory_space<vmem>> -> memref<16x128x128xf32, #tpu.memory_space<vmem>>
    tpu.enqueue_dma source(%dma_start3A_164 : memref<16x128x128xf32, #tpu.memory_space<vmem>>) target(%dma_start3A_159 : memref<16x128x128xf32, #tpu.memory_space<any>>) target_semaphore(%dma_start3A_155 : memref<!tpu.dma_semaphore, #tpu.memory_space<semaphore_mem>>)
    %get3A_165 = arith.constant 4 : index
    %get3A_166 = arith.constant 0 : index
    %get3A_167 = arith.constant 0 : index
    %get3A_168 = vector.load %arg3[%get3A_165, %get3A_166, %get3A_167] : memref<8x16x128xf32, #tpu.memory_space<vmem>>, vector<1x16x128xf32>
    %get3A_169 = vector.shape_cast %get3A_168 : vector<1x16x128xf32> to vector<16x128xf32>
    %broadcast_in_dim3A_170 = vector.shape_cast %get3A_169 : vector<16x128xf32> to vector<16x128x1xf32>
    %broadcast_in_dim3A_171 = vector.shape_cast %get3A_2 : vector<128xf32> to vector<1x1x128xf32>
    %sub3A_172 = vector.broadcast %broadcast_in_dim3A_170 : vector<16x128x1xf32> to vector<16x128x128xf32>
    %sub3A_173 = vector.broadcast %broadcast_in_dim3A_171 : vector<1x1x128xf32> to vector<16x128x128xf32>
    %sub3A_174 = arith.subf %sub3A_172, %sub3A_173 : vector<16x128x128xf32>
    %mul3A_175 = arith.mulf %sub3A_174, %sub3A_174 : vector<16x128x128xf32>
    %broadcast_in_dim3A_176 = vector.shape_cast %mul3A_10 : vector<128xf32> to vector<1x1x128xf32>
    %mul3A_177 = vector.broadcast %broadcast_in_dim3A_176 : vector<1x1x128xf32> to vector<16x128x128xf32>
    %mul3A_178 = arith.mulf %mul3A_175, %mul3A_177 : vector<16x128x128xf32>
    %exp23A_179 = math.exp2 %mul3A_178 : vector<16x128x128xf32>
    %swap3A_180 = arith.index_cast %rem3A_11 : i32 to index
    %swap3A_181 = arith.constant 4 : index
    %swap3A_182 = arith.constant 0 : index
    %swap3A_183 = arith.constant 0 : index
    %swap3A_184 = arith.constant 0 : index
    %swap3A_185 = vector.load %arg5[%swap3A_180, %swap3A_181, %swap3A_182, %swap3A_183, %swap3A_184] : memref<2x8x16x128x128xf32, #tpu.memory_space<vmem>>, vector<1x1x16x128x128xf32>
    %swap3A_186 = vector.shape_cast %swap3A_185 : vector<1x1x16x128x128xf32> to vector<16x128x128xf32>
    %swap3A_187 = vector.shape_cast %exp23A_179 : vector<16x128x128xf32> to vector<1x1x16x128x128xf32>
    tpu.vector_store %arg5[%swap3A_180, %swap3A_181, %swap3A_182, %swap3A_183, %swap3A_184], %swap3A_187 {strides = array<i32>} : memref<2x8x16x128x128xf32, #tpu.memory_space<vmem>>, vector<1x1x16x128x128xf32>,
    %mul3A_188 = arith.constant 16 : i32
    %mul3A_189 = arith.muli %arg0, %mul3A_188 : i32
    %dma_start3A_190 = arith.constant 4 : i32
    %dma_start3A_191 = arith.constant 4 : i32
    %dma_start3A_192 = arith.constant 4 : i32
    %dma_start3A_193 = tpu.memref_slice %arg6[%rem3A_11, %dma_start3A_192] : memref<2x8x!tpu.dma_semaphore, #tpu.memory_space<semaphore_mem>> -> memref<1x1x!tpu.dma_semaphore, #tpu.memory_space<semaphore_mem>>
    %dma_start3A_194 = tpu.memref_squeeze %dma_start3A_193 : memref<1x1x!tpu.dma_semaphore, #tpu.memory_space<semaphore_mem>> -> memref<!tpu.dma_semaphore, #tpu.memory_space<semaphore_mem>>
    %dma_start3A_195 = arith.constant 0 : i32
    %dma_start3A_196 = arith.constant 0 : i32
    %dma_start3A_197 = tpu.memref_slice %arg4[%dma_start3A_191, %mul3A_189, %dma_start3A_195, %dma_start3A_196] : memref<8x256x128x128xf32, #tpu.memory_space<any>> -> memref<1x16x128x128xf32, #tpu.memory_space<any>>
    %dma_start3A_198 = tpu.memref_squeeze %dma_start3A_197 : memref<1x16x128x128xf32, #tpu.memory_space<any>> -> memref<16x128x128xf32, #tpu.memory_space<any>>
    %dma_start3A_199 = arith.constant 0 : i32
    %dma_start3A_200 = arith.constant 0 : i32
    %dma_start3A_201 = arith.constant 0 : i32
    %dma_start3A_202 = tpu.memref_slice %arg5[%rem3A_11, %dma_start3A_190, %dma_start3A_199, %dma_start3A_200, %dma_start3A_201] : memref<2x8x16x128x128xf32, #tpu.memory_space<vmem>> -> memref<1x1x16x128x128xf32, #tpu.memory_space<vmem>>
    %dma_start3A_203 = tpu.memref_squeeze %dma_start3A_202 : memref<1x1x16x128x128xf32, #tpu.memory_space<vmem>> -> memref<16x128x128xf32, #tpu.memory_space<vmem>>
    tpu.enqueue_dma source(%dma_start3A_203 : memref<16x128x128xf32, #tpu.memory_space<vmem>>) target(%dma_start3A_198 : memref<16x128x128xf32, #tpu.memory_space<any>>) target_semaphore(%dma_start3A_194 : memref<!tpu.dma_semaphore, #tpu.memory_space<semaphore_mem>>)
    %get3A_204 = arith.constant 5 : index
    %get3A_205 = arith.constant 0 : index
    %get3A_206 = arith.constant 0 : index
    %get3A_207 = vector.load %arg3[%get3A_204, %get3A_205, %get3A_206] : memref<8x16x128xf32, #tpu.memory_space<vmem>>, vector<1x16x128xf32>
    %get3A_208 = vector.shape_cast %get3A_207 : vector<1x16x128xf32> to vector<16x128xf32>
    %broadcast_in_dim3A_209 = vector.shape_cast %get3A_208 : vector<16x128xf32> to vector<16x128x1xf32>
    %broadcast_in_dim3A_210 = vector.shape_cast %get3A_2 : vector<128xf32> to vector<1x1x128xf32>
    %sub3A_211 = vector.broadcast %broadcast_in_dim3A_209 : vector<16x128x1xf32> to vector<16x128x128xf32>
    %sub3A_212 = vector.broadcast %broadcast_in_dim3A_210 : vector<1x1x128xf32> to vector<16x128x128xf32>
    %sub3A_213 = arith.subf %sub3A_211, %sub3A_212 : vector<16x128x128xf32>
    %mul3A_214 = arith.mulf %sub3A_213, %sub3A_213 : vector<16x128x128xf32>
    %broadcast_in_dim3A_215 = vector.shape_cast %mul3A_10 : vector<128xf32> to vector<1x1x128xf32>
    %mul3A_216 = vector.broadcast %broadcast_in_dim3A_215 : vector<1x1x128xf32> to vector<16x128x128xf32>
    %mul3A_217 = arith.mulf %mul3A_214, %mul3A_216 : vector<16x128x128xf32>
    %exp23A_218 = math.exp2 %mul3A_217 : vector<16x128x128xf32>
    %swap3A_219 = arith.index_cast %rem3A_11 : i32 to index
    %swap3A_220 = arith.constant 5 : index
    %swap3A_221 = arith.constant 0 : index
    %swap3A_222 = arith.constant 0 : index
    %swap3A_223 = arith.constant 0 : index
    %swap3A_224 = vector.load %arg5[%swap3A_219, %swap3A_220, %swap3A_221, %swap3A_222, %swap3A_223] : memref<2x8x16x128x128xf32, #tpu.memory_space<vmem>>, vector<1x1x16x128x128xf32>
    %swap3A_225 = vector.shape_cast %swap3A_224 : vector<1x1x16x128x128xf32> to vector<16x128x128xf32>
    %swap3A_226 = vector.shape_cast %exp23A_218 : vector<16x128x128xf32> to vector<1x1x16x128x128xf32>
    tpu.vector_store %arg5[%swap3A_219, %swap3A_220, %swap3A_221, %swap3A_222, %swap3A_223], %swap3A_226 {strides = array<i32>} : memref<2x8x16x128x128xf32, #tpu.memory_space<vmem>>, vector<1x1x16x128x128xf32>,
    %mul3A_227 = arith.constant 16 : i32
    %mul3A_228 = arith.muli %arg0, %mul3A_227 : i32
    %dma_start3A_229 = arith.constant 5 : i32
    %dma_start3A_230 = arith.constant 5 : i32
    %dma_start3A_231 = arith.constant 5 : i32
    %dma_start3A_232 = tpu.memref_slice %arg6[%rem3A_11, %dma_start3A_231] : memref<2x8x!tpu.dma_semaphore, #tpu.memory_space<semaphore_mem>> -> memref<1x1x!tpu.dma_semaphore, #tpu.memory_space<semaphore_mem>>
    %dma_start3A_233 = tpu.memref_squeeze %dma_start3A_232 : memref<1x1x!tpu.dma_semaphore, #tpu.memory_space<semaphore_mem>> -> memref<!tpu.dma_semaphore, #tpu.memory_space<semaphore_mem>>
    %dma_start3A_234 = arith.constant 0 : i32
    %dma_start3A_235 = arith.constant 0 : i32
    %dma_start3A_236 = tpu.memref_slice %arg4[%dma_start3A_230, %mul3A_228, %dma_start3A_234, %dma_start3A_235] : memref<8x256x128x128xf32, #tpu.memory_space<any>> -> memref<1x16x128x128xf32, #tpu.memory_space<any>>
    %dma_start3A_237 = tpu.memref_squeeze %dma_start3A_236 : memref<1x16x128x128xf32, #tpu.memory_space<any>> -> memref<16x128x128xf32, #tpu.memory_space<any>>
    %dma_start3A_238 = arith.constant 0 : i32
    %dma_start3A_239 = arith.constant 0 : i32
    %dma_start3A_240 = arith.constant 0 : i32
    %dma_start3A_241 = tpu.memref_slice %arg5[%rem3A_11, %dma_start3A_229, %dma_start3A_238, %dma_start3A_239, %dma_start3A_240] : memref<2x8x16x128x128xf32, #tpu.memory_space<vmem>> -> memref<1x1x16x128x128xf32, #tpu.memory_space<vmem>>
    %dma_start3A_242 = tpu.memref_squeeze %dma_start3A_241 : memref<1x1x16x128x128xf32, #tpu.memory_space<vmem>> -> memref<16x128x128xf32, #tpu.memory_space<vmem>>
    tpu.enqueue_dma source(%dma_start3A_242 : memref<16x128x128xf32, #tpu.memory_space<vmem>>) target(%dma_start3A_237 : memref<16x128x128xf32, #tpu.memory_space<any>>) target_semaphore(%dma_start3A_233 : memref<!tpu.dma_semaphore, #tpu.memory_space<semaphore_mem>>)
    %get3A_243 = arith.constant 6 : index
    %get3A_244 = arith.constant 0 : index
    %get3A_245 = arith.constant 0 : index
    %get3A_246 = vector.load %arg3[%get3A_243, %get3A_244, %get3A_245] : memref<8x16x128xf32, #tpu.memory_space<vmem>>, vector<1x16x128xf32>
    %get3A_247 = vector.shape_cast %get3A_246 : vector<1x16x128xf32> to vector<16x128xf32>
    %broadcast_in_dim3A_248 = vector.shape_cast %get3A_247 : vector<16x128xf32> to vector<16x128x1xf32>
    %broadcast_in_dim3A_249 = vector.shape_cast %get3A_2 : vector<128xf32> to vector<1x1x128xf32>
    %sub3A_250 = vector.broadcast %broadcast_in_dim3A_248 : vector<16x128x1xf32> to vector<16x128x128xf32>
    %sub3A_251 = vector.broadcast %broadcast_in_dim3A_249 : vector<1x1x128xf32> to vector<16x128x128xf32>
    %sub3A_252 = arith.subf %sub3A_250, %sub3A_251 : vector<16x128x128xf32>
    %mul3A_253 = arith.mulf %sub3A_252, %sub3A_252 : vector<16x128x128xf32>
    %broadcast_in_dim3A_254 = vector.shape_cast %mul3A_10 : vector<128xf32> to vector<1x1x128xf32>
    %mul3A_255 = vector.broadcast %broadcast_in_dim3A_254 : vector<1x1x128xf32> to vector<16x128x128xf32>
    %mul3A_256 = arith.mulf %mul3A_253, %mul3A_255 : vector<16x128x128xf32>
    %exp23A_257 = math.exp2 %mul3A_256 : vector<16x128x128xf32>
    %swap3A_258 = arith.index_cast %rem3A_11 : i32 to index
    %swap3A_259 = arith.constant 6 : index
    %swap3A_260 = arith.constant 0 : index
    %swap3A_261 = arith.constant 0 : index
    %swap3A_262 = arith.constant 0 : index
    %swap3A_263 = vector.load %arg5[%swap3A_258, %swap3A_259, %swap3A_260, %swap3A_261, %swap3A_262] : memref<2x8x16x128x128xf32, #tpu.memory_space<vmem>>, vector<1x1x16x128x128xf32>
    %swap3A_264 = vector.shape_cast %swap3A_263 : vector<1x1x16x128x128xf32> to vector<16x128x128xf32>
    %swap3A_265 = vector.shape_cast %exp23A_257 : vector<16x128x128xf32> to vector<1x1x16x128x128xf32>
    tpu.vector_store %arg5[%swap3A_258, %swap3A_259, %swap3A_260, %swap3A_261, %swap3A_262], %swap3A_265 {strides = array<i32>} : memref<2x8x16x128x128xf32, #tpu.memory_space<vmem>>, vector<1x1x16x128x128xf32>,
    %mul3A_266 = arith.constant 16 : i32
    %mul3A_267 = arith.muli %arg0, %mul3A_266 : i32
    %dma_start3A_268 = arith.constant 6 : i32
    %dma_start3A_269 = arith.constant 6 : i32
    %dma_start3A_270 = arith.constant 6 : i32
    %dma_start3A_271 = tpu.memref_slice %arg6[%rem3A_11, %dma_start3A_270] : memref<2x8x!tpu.dma_semaphore, #tpu.memory_space<semaphore_mem>> -> memref<1x1x!tpu.dma_semaphore, #tpu.memory_space<semaphore_mem>>
    %dma_start3A_272 = tpu.memref_squeeze %dma_start3A_271 : memref<1x1x!tpu.dma_semaphore, #tpu.memory_space<semaphore_mem>> -> memref<!tpu.dma_semaphore, #tpu.memory_space<semaphore_mem>>
    %dma_start3A_273 = arith.constant 0 : i32
    %dma_start3A_274 = arith.constant 0 : i32
    %dma_start3A_275 = tpu.memref_slice %arg4[%dma_start3A_269, %mul3A_267, %dma_start3A_273, %dma_start3A_274] : memref<8x256x128x128xf32, #tpu.memory_space<any>> -> memref<1x16x128x128xf32, #tpu.memory_space<any>>
    %dma_start3A_276 = tpu.memref_squeeze %dma_start3A_275 : memref<1x16x128x128xf32, #tpu.memory_space<any>> -> memref<16x128x128xf32, #tpu.memory_space<any>>
    %dma_start3A_277 = arith.constant 0 : i32
    %dma_start3A_278 = arith.constant 0 : i32
    %dma_start3A_279 = arith.constant 0 : i32
    %dma_start3A_280 = tpu.memref_slice %arg5[%rem3A_11, %dma_start3A_268, %dma_start3A_277, %dma_start3A_278, %dma_start3A_279] : memref<2x8x16x128x128xf32, #tpu.memory_space<vmem>> -> memref<1x1x16x128x128xf32, #tpu.memory_space<vmem>>
    %dma_start3A_281 = tpu.memref_squeeze %dma_start3A_280 : memref<1x1x16x128x128xf32, #tpu.memory_space<vmem>> -> memref<16x128x128xf32, #tpu.memory_space<vmem>>
    tpu.enqueue_dma source(%dma_start3A_281 : memref<16x128x128xf32, #tpu.memory_space<vmem>>) target(%dma_start3A_276 : memref<16x128x128xf32, #tpu.memory_space<any>>) target_semaphore(%dma_start3A_272 : memref<!tpu.dma_semaphore, #tpu.memory_space<semaphore_mem>>)
    %get3A_282 = arith.constant 7 : index
    %get3A_283 = arith.constant 0 : index
    %get3A_284 = arith.constant 0 : index
    %get3A_285 = vector.load %arg3[%get3A_282, %get3A_283, %get3A_284] : memref<8x16x128xf32, #tpu.memory_space<vmem>>, vector<1x16x128xf32>
    %get3A_286 = vector.shape_cast %get3A_285 : vector<1x16x128xf32> to vector<16x128xf32>
    %broadcast_in_dim3A_287 = vector.shape_cast %get3A_286 : vector<16x128xf32> to vector<16x128x1xf32>
    %broadcast_in_dim3A_288 = vector.shape_cast %get3A_2 : vector<128xf32> to vector<1x1x128xf32>
    %sub3A_289 = vector.broadcast %broadcast_in_dim3A_287 : vector<16x128x1xf32> to vector<16x128x128xf32>
    %sub3A_290 = vector.broadcast %broadcast_in_dim3A_288 : vector<1x1x128xf32> to vector<16x128x128xf32>
    %sub3A_291 = arith.subf %sub3A_289, %sub3A_290 : vector<16x128x128xf32>
    %mul3A_292 = arith.mulf %sub3A_291, %sub3A_291 : vector<16x128x128xf32>
    %broadcast_in_dim3A_293 = vector.shape_cast %mul3A_10 : vector<128xf32> to vector<1x1x128xf32>
    %mul3A_294 = vector.broadcast %broadcast_in_dim3A_293 : vector<1x1x128xf32> to vector<16x128x128xf32>
    %mul3A_295 = arith.mulf %mul3A_292, %mul3A_294 : vector<16x128x128xf32>
    %exp23A_296 = math.exp2 %mul3A_295 : vector<16x128x128xf32>
    %swap3A_297 = arith.index_cast %rem3A_11 : i32 to index
    %swap3A_298 = arith.constant 7 : index
    %swap3A_299 = arith.constant 0 : index
    %swap3A_300 = arith.constant 0 : index
    %swap3A_301 = arith.constant 0 : index
    %swap3A_302 = vector.load %arg5[%swap3A_297, %swap3A_298, %swap3A_299, %swap3A_300, %swap3A_301] : memref<2x8x16x128x128xf32, #tpu.memory_space<vmem>>, vector<1x1x16x128x128xf32>
    %swap3A_303 = vector.shape_cast %swap3A_302 : vector<1x1x16x128x128xf32> to vector<16x128x128xf32>
    %swap3A_304 = vector.shape_cast %exp23A_296 : vector<16x128x128xf32> to vector<1x1x16x128x128xf32>
    tpu.vector_store %arg5[%swap3A_297, %swap3A_298, %swap3A_299, %swap3A_300, %swap3A_301], %swap3A_304 {strides = array<i32>} : memref<2x8x16x128x128xf32, #tpu.memory_space<vmem>>, vector<1x1x16x128x128xf32>,
    %mul3A_305 = arith.constant 16 : i32
    %mul3A_306 = arith.muli %arg0, %mul3A_305 : i32
    %dma_start3A_307 = arith.constant 7 : i32
    %dma_start3A_308 = arith.constant 7 : i32
    %dma_start3A_309 = arith.constant 7 : i32
    %dma_start3A_310 = tpu.memref_slice %arg6[%rem3A_11, %dma_start3A_309] : memref<2x8x!tpu.dma_semaphore, #tpu.memory_space<semaphore_mem>> -> memref<1x1x!tpu.dma_semaphore, #tpu.memory_space<semaphore_mem>>
    %dma_start3A_311 = tpu.memref_squeeze %dma_start3A_310 : memref<1x1x!tpu.dma_semaphore, #tpu.memory_space<semaphore_mem>> -> memref<!tpu.dma_semaphore, #tpu.memory_space<semaphore_mem>>
    %dma_start3A_312 = arith.constant 0 : i32
    %dma_start3A_313 = arith.constant 0 : i32
    %dma_start3A_314 = tpu.memref_slice %arg4[%dma_start3A_308, %mul3A_306, %dma_start3A_312, %dma_start3A_313] : memref<8x256x128x128xf32, #tpu.memory_space<any>> -> memref<1x16x128x128xf32, #tpu.memory_space<any>>
    %dma_start3A_315 = tpu.memref_squeeze %dma_start3A_314 : memref<1x16x128x128xf32, #tpu.memory_space<any>> -> memref<16x128x128xf32, #tpu.memory_space<any>>
    %dma_start3A_316 = arith.constant 0 : i32
    %dma_start3A_317 = arith.constant 0 : i32
    %dma_start3A_318 = arith.constant 0 : i32
    %dma_start3A_319 = tpu.memref_slice %arg5[%rem3A_11, %dma_start3A_307, %dma_start3A_316, %dma_start3A_317, %dma_start3A_318] : memref<2x8x16x128x128xf32, #tpu.memory_space<vmem>> -> memref<1x1x16x128x128xf32, #tpu.memory_space<vmem>>
    %dma_start3A_320 = tpu.memref_squeeze %dma_start3A_319 : memref<1x1x16x128x128xf32, #tpu.memory_space<vmem>> -> memref<16x128x128xf32, #tpu.memory_space<vmem>>
    tpu.enqueue_dma source(%dma_start3A_320 : memref<16x128x128xf32, #tpu.memory_space<vmem>>) target(%dma_start3A_315 : memref<16x128x128xf32, #tpu.memory_space<any>>) target_semaphore(%dma_start3A_311 : memref<!tpu.dma_semaphore, #tpu.memory_space<semaphore_mem>>)
    %eq3A = arith.constant 15 : i32
    %eq3A_321 = arith.cmpi eq, %arg0, %eq3A : i32
    %convert_element_type3A_322 = arith.extui %eq3A_321 : i1 to i32
    %cond3A_323 = arith.constant 0 : i32
    %cond3A_324 = arith.cmpi ne, %convert_element_type3A_322, %cond3A_323 : i32
    scf.if %cond3A_324 {
      %dma_wait3A = arith.constant 0 : i32
      %dma_wait3A_325 = arith.constant 0 : i32
      %dma_wait3A_326 = arith.constant 0 : i32
      %dma_wait3A_327 = arith.constant 0 : i32
      %dma_wait3A_328 = arith.constant 0 : i32
      %dma_wait3A_329 = tpu.memref_slice %arg6[%dma_wait3A_327, %dma_wait3A_328] : memref<2x8x!tpu.dma_semaphore, #tpu.memory_space<semaphore_mem>> -> memref<1x1x!tpu.dma_semaphore, #tpu.memory_space<semaphore_mem>>
      %dma_wait3A_330 = tpu.memref_squeeze %dma_wait3A_329 : memref<1x1x!tpu.dma_semaphore, #tpu.memory_space<semaphore_mem>> -> memref<!tpu.dma_semaphore, #tpu.memory_space<semaphore_mem>>
      %dma_wait3A_331 = arith.constant 0 : i32
      %dma_wait3A_332 = arith.constant 0 : i32
      %dma_wait3A_333 = arith.constant 0 : i32
      %dma_wait3A_334 = tpu.memref_slice %arg4[%dma_wait3A_326, %dma_wait3A_331, %dma_wait3A_332, %dma_wait3A_333] : memref<8x256x128x128xf32, #tpu.memory_space<any>> -> memref<1x16x128x128xf32, #tpu.memory_space<any>>
      %dma_wait3A_335 = tpu.memref_squeeze %dma_wait3A_334 : memref<1x16x128x128xf32, #tpu.memory_space<any>> -> memref<16x128x128xf32, #tpu.memory_space<any>>
      %dma_wait3A_336 = arith.constant 0 : i32
      %dma_wait3A_337 = arith.constant 0 : i32
      %dma_wait3A_338 = arith.constant 0 : i32
      %dma_wait3A_339 = tpu.memref_slice %arg5[%dma_wait3A, %dma_wait3A_325, %dma_wait3A_336, %dma_wait3A_337, %dma_wait3A_338] : memref<2x8x16x128x128xf32, #tpu.memory_space<vmem>> -> memref<1x1x16x128x128xf32, #tpu.memory_space<vmem>>
      %dma_wait3A_340 = tpu.memref_squeeze %dma_wait3A_339 : memref<1x1x16x128x128xf32, #tpu.memory_space<vmem>> -> memref<16x128x128xf32, #tpu.memory_space<vmem>>
      tpu.wait_dma2 semaphore(%dma_wait3A_330 : memref<!tpu.dma_semaphore, #tpu.memory_space<semaphore_mem>>) src(%dma_wait3A_340 : memref<16x128x128xf32, #tpu.memory_space<vmem>>) dst(%dma_wait3A_335 : memref<16x128x128xf32, #tpu.memory_space<any>>)
      %dma_wait3A_341 = arith.constant 0 : i32
      %dma_wait3A_342 = arith.constant 1 : i32
      %dma_wait3A_343 = arith.constant 1 : i32
      %dma_wait3A_344 = arith.constant 0 : i32
      %dma_wait3A_345 = arith.constant 1 : i32
      %dma_wait3A_346 = tpu.memref_slice %arg6[%dma_wait3A_344, %dma_wait3A_345] : memref<2x8x!tpu.dma_semaphore, #tpu.memory_space<semaphore_mem>> -> memref<1x1x!tpu.dma_semaphore, #tpu.memory_space<semaphore_mem>>
      %dma_wait3A_347 = tpu.memref_squeeze %dma_wait3A_346 : memref<1x1x!tpu.dma_semaphore, #tpu.memory_space<semaphore_mem>> -> memref<!tpu.dma_semaphore, #tpu.memory_space<semaphore_mem>>
      %dma_wait3A_348 = arith.constant 0 : i32
      %dma_wait3A_349 = arith.constant 0 : i32
      %dma_wait3A_350 = arith.constant 0 : i32
      %dma_wait3A_351 = tpu.memref_slice %arg4[%dma_wait3A_343, %dma_wait3A_348, %dma_wait3A_349, %dma_wait3A_350] : memref<8x256x128x128xf32, #tpu.memory_space<any>> -> memref<1x16x128x128xf32, #tpu.memory_space<any>>
      %dma_wait3A_352 = tpu.memref_squeeze %dma_wait3A_351 : memref<1x16x128x128xf32, #tpu.memory_space<any>> -> memref<16x128x128xf32, #tpu.memory_space<any>>
      %dma_wait3A_353 = arith.constant 0 : i32
      %dma_wait3A_354 = arith.constant 0 : i32
      %dma_wait3A_355 = arith.constant 0 : i32
      %dma_wait3A_356 = tpu.memref_slice %arg5[%dma_wait3A_341, %dma_wait3A_342, %dma_wait3A_353, %dma_wait3A_354, %dma_wait3A_355] : memref<2x8x16x128x128xf32, #tpu.memory_space<vmem>> -> memref<1x1x16x128x128xf32, #tpu.memory_space<vmem>>
      %dma_wait3A_357 = tpu.memref_squeeze %dma_wait3A_356 : memref<1x1x16x128x128xf32, #tpu.memory_space<vmem>> -> memref<16x128x128xf32, #tpu.memory_space<vmem>>
      tpu.wait_dma2 semaphore(%dma_wait3A_347 : memref<!tpu.dma_semaphore, #tpu.memory_space<semaphore_mem>>) src(%dma_wait3A_357 : memref<16x128x128xf32, #tpu.memory_space<vmem>>) dst(%dma_wait3A_352 : memref<16x128x128xf32, #tpu.memory_space<any>>)
      %dma_wait3A_358 = arith.constant 0 : i32
      %dma_wait3A_359 = arith.constant 2 : i32
      %dma_wait3A_360 = arith.constant 2 : i32
      %dma_wait3A_361 = arith.constant 0 : i32
      %dma_wait3A_362 = arith.constant 2 : i32
      %dma_wait3A_363 = tpu.memref_slice %arg6[%dma_wait3A_361, %dma_wait3A_362] : memref<2x8x!tpu.dma_semaphore, #tpu.memory_space<semaphore_mem>> -> memref<1x1x!tpu.dma_semaphore, #tpu.memory_space<semaphore_mem>>
      %dma_wait3A_364 = tpu.memref_squeeze %dma_wait3A_363 : memref<1x1x!tpu.dma_semaphore, #tpu.memory_space<semaphore_mem>> -> memref<!tpu.dma_semaphore, #tpu.memory_space<semaphore_mem>>
      %dma_wait3A_365 = arith.constant 0 : i32
      %dma_wait3A_366 = arith.constant 0 : i32
      %dma_wait3A_367 = arith.constant 0 : i32
      %dma_wait3A_368 = tpu.memref_slice %arg4[%dma_wait3A_360, %dma_wait3A_365, %dma_wait3A_366, %dma_wait3A_367] : memref<8x256x128x128xf32, #tpu.memory_space<any>> -> memref<1x16x128x128xf32, #tpu.memory_space<any>>
      %dma_wait3A_369 = tpu.memref_squeeze %dma_wait3A_368 : memref<1x16x128x128xf32, #tpu.memory_space<any>> -> memref<16x128x128xf32, #tpu.memory_space<any>>
      %dma_wait3A_370 = arith.constant 0 : i32
      %dma_wait3A_371 = arith.constant 0 : i32
      %dma_wait3A_372 = arith.constant 0 : i32
      %dma_wait3A_373 = tpu.memref_slice %arg5[%dma_wait3A_358, %dma_wait3A_359, %dma_wait3A_370, %dma_wait3A_371, %dma_wait3A_372] : memref<2x8x16x128x128xf32, #tpu.memory_space<vmem>> -> memref<1x1x16x128x128xf32, #tpu.memory_space<vmem>>
      %dma_wait3A_374 = tpu.memref_squeeze %dma_wait3A_373 : memref<1x1x16x128x128xf32, #tpu.memory_space<vmem>> -> memref<16x128x128xf32, #tpu.memory_space<vmem>>
      tpu.wait_dma2 semaphore(%dma_wait3A_364 : memref<!tpu.dma_semaphore, #tpu.memory_space<semaphore_mem>>) src(%dma_wait3A_374 : memref<16x128x128xf32, #tpu.memory_space<vmem>>) dst(%dma_wait3A_369 : memref<16x128x128xf32, #tpu.memory_space<any>>)
      %dma_wait3A_375 = arith.constant 0 : i32
      %dma_wait3A_376 = arith.constant 3 : i32
      %dma_wait3A_377 = arith.constant 3 : i32
      %dma_wait3A_378 = arith.constant 0 : i32
      %dma_wait3A_379 = arith.constant 3 : i32
      %dma_wait3A_380 = tpu.memref_slice %arg6[%dma_wait3A_378, %dma_wait3A_379] : memref<2x8x!tpu.dma_semaphore, #tpu.memory_space<semaphore_mem>> -> memref<1x1x!tpu.dma_semaphore, #tpu.memory_space<semaphore_mem>>
      %dma_wait3A_381 = tpu.memref_squeeze %dma_wait3A_380 : memref<1x1x!tpu.dma_semaphore, #tpu.memory_space<semaphore_mem>> -> memref<!tpu.dma_semaphore, #tpu.memory_space<semaphore_mem>>
      %dma_wait3A_382 = arith.constant 0 : i32
      %dma_wait3A_383 = arith.constant 0 : i32
      %dma_wait3A_384 = arith.constant 0 : i32
      %dma_wait3A_385 = tpu.memref_slice %arg4[%dma_wait3A_377, %dma_wait3A_382, %dma_wait3A_383, %dma_wait3A_384] : memref<8x256x128x128xf32, #tpu.memory_space<any>> -> memref<1x16x128x128xf32, #tpu.memory_space<any>>
      %dma_wait3A_386 = tpu.memref_squeeze %dma_wait3A_385 : memref<1x16x128x128xf32, #tpu.memory_space<any>> -> memref<16x128x128xf32, #tpu.memory_space<any>>
      %dma_wait3A_387 = arith.constant 0 : i32
      %dma_wait3A_388 = arith.constant 0 : i32
      %dma_wait3A_389 = arith.constant 0 : i32
      %dma_wait3A_390 = tpu.memref_slice %arg5[%dma_wait3A_375, %dma_wait3A_376, %dma_wait3A_387, %dma_wait3A_388, %dma_wait3A_389] : memref<2x8x16x128x128xf32, #tpu.memory_space<vmem>> -> memref<1x1x16x128x128xf32, #tpu.memory_space<vmem>>
      %dma_wait3A_391 = tpu.memref_squeeze %dma_wait3A_390 : memref<1x1x16x128x128xf32, #tpu.memory_space<vmem>> -> memref<16x128x128xf32, #tpu.memory_space<vmem>>
      tpu.wait_dma2 semaphore(%dma_wait3A_381 : memref<!tpu.dma_semaphore, #tpu.memory_space<semaphore_mem>>) src(%dma_wait3A_391 : memref<16x128x128xf32, #tpu.memory_space<vmem>>) dst(%dma_wait3A_386 : memref<16x128x128xf32, #tpu.memory_space<any>>)
      %dma_wait3A_392 = arith.constant 0 : i32
      %dma_wait3A_393 = arith.constant 4 : i32
      %dma_wait3A_394 = arith.constant 4 : i32
      %dma_wait3A_395 = arith.constant 0 : i32
      %dma_wait3A_396 = arith.constant 4 : i32
      %dma_wait3A_397 = tpu.memref_slice %arg6[%dma_wait3A_395, %dma_wait3A_396] : memref<2x8x!tpu.dma_semaphore, #tpu.memory_space<semaphore_mem>> -> memref<1x1x!tpu.dma_semaphore, #tpu.memory_space<semaphore_mem>>
      %dma_wait3A_398 = tpu.memref_squeeze %dma_wait3A_397 : memref<1x1x!tpu.dma_semaphore, #tpu.memory_space<semaphore_mem>> -> memref<!tpu.dma_semaphore, #tpu.memory_space<semaphore_mem>>
      %dma_wait3A_399 = arith.constant 0 : i32
      %dma_wait3A_400 = arith.constant 0 : i32
      %dma_wait3A_401 = arith.constant 0 : i32
      %dma_wait3A_402 = tpu.memref_slice %arg4[%dma_wait3A_394, %dma_wait3A_399, %dma_wait3A_400, %dma_wait3A_401] : memref<8x256x128x128xf32, #tpu.memory_space<any>> -> memref<1x16x128x128xf32, #tpu.memory_space<any>>
      %dma_wait3A_403 = tpu.memref_squeeze %dma_wait3A_402 : memref<1x16x128x128xf32, #tpu.memory_space<any>> -> memref<16x128x128xf32, #tpu.memory_space<any>>
      %dma_wait3A_404 = arith.constant 0 : i32
      %dma_wait3A_405 = arith.constant 0 : i32
      %dma_wait3A_406 = arith.constant 0 : i32
      %dma_wait3A_407 = tpu.memref_slice %arg5[%dma_wait3A_392, %dma_wait3A_393, %dma_wait3A_404, %dma_wait3A_405, %dma_wait3A_406] : memref<2x8x16x128x128xf32, #tpu.memory_space<vmem>> -> memref<1x1x16x128x128xf32, #tpu.memory_space<vmem>>
      %dma_wait3A_408 = tpu.memref_squeeze %dma_wait3A_407 : memref<1x1x16x128x128xf32, #tpu.memory_space<vmem>> -> memref<16x128x128xf32, #tpu.memory_space<vmem>>
      tpu.wait_dma2 semaphore(%dma_wait3A_398 : memref<!tpu.dma_semaphore, #tpu.memory_space<semaphore_mem>>) src(%dma_wait3A_408 : memref<16x128x128xf32, #tpu.memory_space<vmem>>) dst(%dma_wait3A_403 : memref<16x128x128xf32, #tpu.memory_space<any>>)
      %dma_wait3A_409 = arith.constant 0 : i32
      %dma_wait3A_410 = arith.constant 5 : i32
      %dma_wait3A_411 = arith.constant 5 : i32
      %dma_wait3A_412 = arith.constant 0 : i32
      %dma_wait3A_413 = arith.constant 5 : i32
      %dma_wait3A_414 = tpu.memref_slice %arg6[%dma_wait3A_412, %dma_wait3A_413] : memref<2x8x!tpu.dma_semaphore, #tpu.memory_space<semaphore_mem>> -> memref<1x1x!tpu.dma_semaphore, #tpu.memory_space<semaphore_mem>>
      %dma_wait3A_415 = tpu.memref_squeeze %dma_wait3A_414 : memref<1x1x!tpu.dma_semaphore, #tpu.memory_space<semaphore_mem>> -> memref<!tpu.dma_semaphore, #tpu.memory_space<semaphore_mem>>
      %dma_wait3A_416 = arith.constant 0 : i32
      %dma_wait3A_417 = arith.constant 0 : i32
      %dma_wait3A_418 = arith.constant 0 : i32
      %dma_wait3A_419 = tpu.memref_slice %arg4[%dma_wait3A_411, %dma_wait3A_416, %dma_wait3A_417, %dma_wait3A_418] : memref<8x256x128x128xf32, #tpu.memory_space<any>> -> memref<1x16x128x128xf32, #tpu.memory_space<any>>
      %dma_wait3A_420 = tpu.memref_squeeze %dma_wait3A_419 : memref<1x16x128x128xf32, #tpu.memory_space<any>> -> memref<16x128x128xf32, #tpu.memory_space<any>>
      %dma_wait3A_421 = arith.constant 0 : i32
      %dma_wait3A_422 = arith.constant 0 : i32
      %dma_wait3A_423 = arith.constant 0 : i32
      %dma_wait3A_424 = tpu.memref_slice %arg5[%dma_wait3A_409, %dma_wait3A_410, %dma_wait3A_421, %dma_wait3A_422, %dma_wait3A_423] : memref<2x8x16x128x128xf32, #tpu.memory_space<vmem>> -> memref<1x1x16x128x128xf32, #tpu.memory_space<vmem>>
      %dma_wait3A_425 = tpu.memref_squeeze %dma_wait3A_424 : memref<1x1x16x128x128xf32, #tpu.memory_space<vmem>> -> memref<16x128x128xf32, #tpu.memory_space<vmem>>
      tpu.wait_dma2 semaphore(%dma_wait3A_415 : memref<!tpu.dma_semaphore, #tpu.memory_space<semaphore_mem>>) src(%dma_wait3A_425 : memref<16x128x128xf32, #tpu.memory_space<vmem>>) dst(%dma_wait3A_420 : memref<16x128x128xf32, #tpu.memory_space<any>>)
      %dma_wait3A_426 = arith.constant 0 : i32
      %dma_wait3A_427 = arith.constant 6 : i32
      %dma_wait3A_428 = arith.constant 6 : i32
      %dma_wait3A_429 = arith.constant 0 : i32
      %dma_wait3A_430 = arith.constant 6 : i32
      %dma_wait3A_431 = tpu.memref_slice %arg6[%dma_wait3A_429, %dma_wait3A_430] : memref<2x8x!tpu.dma_semaphore, #tpu.memory_space<semaphore_mem>> -> memref<1x1x!tpu.dma_semaphore, #tpu.memory_space<semaphore_mem>>
      %dma_wait3A_432 = tpu.memref_squeeze %dma_wait3A_431 : memref<1x1x!tpu.dma_semaphore, #tpu.memory_space<semaphore_mem>> -> memref<!tpu.dma_semaphore, #tpu.memory_space<semaphore_mem>>
      %dma_wait3A_433 = arith.constant 0 : i32
      %dma_wait3A_434 = arith.constant 0 : i32
      %dma_wait3A_435 = arith.constant 0 : i32
      %dma_wait3A_436 = tpu.memref_slice %arg4[%dma_wait3A_428, %dma_wait3A_433, %dma_wait3A_434, %dma_wait3A_435] : memref<8x256x128x128xf32, #tpu.memory_space<any>> -> memref<1x16x128x128xf32, #tpu.memory_space<any>>
      %dma_wait3A_437 = tpu.memref_squeeze %dma_wait3A_436 : memref<1x16x128x128xf32, #tpu.memory_space<any>> -> memref<16x128x128xf32, #tpu.memory_space<any>>
      %dma_wait3A_438 = arith.constant 0 : i32
      %dma_wait3A_439 = arith.constant 0 : i32
      %dma_wait3A_440 = arith.constant 0 : i32
      %dma_wait3A_441 = tpu.memref_slice %arg5[%dma_wait3A_426, %dma_wait3A_427, %dma_wait3A_438, %dma_wait3A_439, %dma_wait3A_440] : memref<2x8x16x128x128xf32, #tpu.memory_space<vmem>> -> memref<1x1x16x128x128xf32, #tpu.memory_space<vmem>>
      %dma_wait3A_442 = tpu.memref_squeeze %dma_wait3A_441 : memref<1x1x16x128x128xf32, #tpu.memory_space<vmem>> -> memref<16x128x128xf32, #tpu.memory_space<vmem>>
      tpu.wait_dma2 semaphore(%dma_wait3A_432 : memref<!tpu.dma_semaphore, #tpu.memory_space<semaphore_mem>>) src(%dma_wait3A_442 : memref<16x128x128xf32, #tpu.memory_space<vmem>>) dst(%dma_wait3A_437 : memref<16x128x128xf32, #tpu.memory_space<any>>)
      %dma_wait3A_443 = arith.constant 0 : i32
      %dma_wait3A_444 = arith.constant 7 : i32
      %dma_wait3A_445 = arith.constant 7 : i32
      %dma_wait3A_446 = arith.constant 0 : i32
      %dma_wait3A_447 = arith.constant 7 : i32
      %dma_wait3A_448 = tpu.memref_slice %arg6[%dma_wait3A_446, %dma_wait3A_447] : memref<2x8x!tpu.dma_semaphore, #tpu.memory_space<semaphore_mem>> -> memref<1x1x!tpu.dma_semaphore, #tpu.memory_space<semaphore_mem>>
      %dma_wait3A_449 = tpu.memref_squeeze %dma_wait3A_448 : memref<1x1x!tpu.dma_semaphore, #tpu.memory_space<semaphore_mem>> -> memref<!tpu.dma_semaphore, #tpu.memory_space<semaphore_mem>>
      %dma_wait3A_450 = arith.constant 0 : i32
      %dma_wait3A_451 = arith.constant 0 : i32
      %dma_wait3A_452 = arith.constant 0 : i32
      %dma_wait3A_453 = tpu.memref_slice %arg4[%dma_wait3A_445, %dma_wait3A_450, %dma_wait3A_451, %dma_wait3A_452] : memref<8x256x128x128xf32, #tpu.memory_space<any>> -> memref<1x16x128x128xf32, #tpu.memory_space<any>>
      %dma_wait3A_454 = tpu.memref_squeeze %dma_wait3A_453 : memref<1x16x128x128xf32, #tpu.memory_space<any>> -> memref<16x128x128xf32, #tpu.memory_space<any>>
      %dma_wait3A_455 = arith.constant 0 : i32
      %dma_wait3A_456 = arith.constant 0 : i32
      %dma_wait3A_457 = arith.constant 0 : i32
      %dma_wait3A_458 = tpu.memref_slice %arg5[%dma_wait3A_443, %dma_wait3A_444, %dma_wait3A_455, %dma_wait3A_456, %dma_wait3A_457] : memref<2x8x16x128x128xf32, #tpu.memory_space<vmem>> -> memref<1x1x16x128x128xf32, #tpu.memory_space<vmem>>
      %dma_wait3A_459 = tpu.memref_squeeze %dma_wait3A_458 : memref<1x1x16x128x128xf32, #tpu.memory_space<vmem>> -> memref<16x128x128xf32, #tpu.memory_space<vmem>>
      tpu.wait_dma2 semaphore(%dma_wait3A_449 : memref<!tpu.dma_semaphore, #tpu.memory_space<semaphore_mem>>) src(%dma_wait3A_459 : memref<16x128x128xf32, #tpu.memory_space<vmem>>) dst(%dma_wait3A_454 : memref<16x128x128xf32, #tpu.memory_space<any>>)
      %dma_wait3A_460 = arith.constant 1 : i32
      %dma_wait3A_461 = arith.constant 0 : i32
      %dma_wait3A_462 = arith.constant 0 : i32
      %dma_wait3A_463 = arith.constant 1 : i32
      %dma_wait3A_464 = arith.constant 0 : i32
      %dma_wait3A_465 = tpu.memref_slice %arg6[%dma_wait3A_463, %dma_wait3A_464] : memref<2x8x!tpu.dma_semaphore, #tpu.memory_space<semaphore_mem>> -> memref<1x1x!tpu.dma_semaphore, #tpu.memory_space<semaphore_mem>>
      %dma_wait3A_466 = tpu.memref_squeeze %dma_wait3A_465 : memref<1x1x!tpu.dma_semaphore, #tpu.memory_space<semaphore_mem>> -> memref<!tpu.dma_semaphore, #tpu.memory_space<semaphore_mem>>
      %dma_wait3A_467 = arith.constant 0 : i32
      %dma_wait3A_468 = arith.constant 0 : i32
      %dma_wait3A_469 = arith.constant 0 : i32
      %dma_wait3A_470 = tpu.memref_slice %arg4[%dma_wait3A_462, %dma_wait3A_467, %dma_wait3A_468, %dma_wait3A_469] : memref<8x256x128x128xf32, #tpu.memory_space<any>> -> memref<1x16x128x128xf32, #tpu.memory_space<any>>
      %dma_wait3A_471 = tpu.memref_squeeze %dma_wait3A_470 : memref<1x16x128x128xf32, #tpu.memory_space<any>> -> memref<16x128x128xf32, #tpu.memory_space<any>>
      %dma_wait3A_472 = arith.constant 0 : i32
      %dma_wait3A_473 = arith.constant 0 : i32
      %dma_wait3A_474 = arith.constant 0 : i32
      %dma_wait3A_475 = tpu.memref_slice %arg5[%dma_wait3A_460, %dma_wait3A_461, %dma_wait3A_472, %dma_wait3A_473, %dma_wait3A_474] : memref<2x8x16x128x128xf32, #tpu.memory_space<vmem>> -> memref<1x1x16x128x128xf32, #tpu.memory_space<vmem>>
      %dma_wait3A_476 = tpu.memref_squeeze %dma_wait3A_475 : memref<1x1x16x128x128xf32, #tpu.memory_space<vmem>> -> memref<16x128x128xf32, #tpu.memory_space<vmem>>
      tpu.wait_dma2 semaphore(%dma_wait3A_466 : memref<!tpu.dma_semaphore, #tpu.memory_space<semaphore_mem>>) src(%dma_wait3A_476 : memref<16x128x128xf32, #tpu.memory_space<vmem>>) dst(%dma_wait3A_471 : memref<16x128x128xf32, #tpu.memory_space<any>>)
      %dma_wait3A_477 = arith.constant 1 : i32
      %dma_wait3A_478 = arith.constant 1 : i32
      %dma_wait3A_479 = arith.constant 1 : i32
      %dma_wait3A_480 = arith.constant 1 : i32
      %dma_wait3A_481 = arith.constant 1 : i32
      %dma_wait3A_482 = tpu.memref_slice %arg6[%dma_wait3A_480, %dma_wait3A_481] : memref<2x8x!tpu.dma_semaphore, #tpu.memory_space<semaphore_mem>> -> memref<1x1x!tpu.dma_semaphore, #tpu.memory_space<semaphore_mem>>
      %dma_wait3A_483 = tpu.memref_squeeze %dma_wait3A_482 : memref<1x1x!tpu.dma_semaphore, #tpu.memory_space<semaphore_mem>> -> memref<!tpu.dma_semaphore, #tpu.memory_space<semaphore_mem>>
      %dma_wait3A_484 = arith.constant 0 : i32
      %dma_wait3A_485 = arith.constant 0 : i32
      %dma_wait3A_486 = arith.constant 0 : i32
      %dma_wait3A_487 = tpu.memref_slice %arg4[%dma_wait3A_479, %dma_wait3A_484, %dma_wait3A_485, %dma_wait3A_486] : memref<8x256x128x128xf32, #tpu.memory_space<any>> -> memref<1x16x128x128xf32, #tpu.memory_space<any>>
      %dma_wait3A_488 = tpu.memref_squeeze %dma_wait3A_487 : memref<1x16x128x128xf32, #tpu.memory_space<any>> -> memref<16x128x128xf32, #tpu.memory_space<any>>
      %dma_wait3A_489 = arith.constant 0 : i32
      %dma_wait3A_490 = arith.constant 0 : i32
      %dma_wait3A_491 = arith.constant 0 : i32
      %dma_wait3A_492 = tpu.memref_slice %arg5[%dma_wait3A_477, %dma_wait3A_478, %dma_wait3A_489, %dma_wait3A_490, %dma_wait3A_491] : memref<2x8x16x128x128xf32, #tpu.memory_space<vmem>> -> memref<1x1x16x128x128xf32, #tpu.memory_space<vmem>>
      %dma_wait3A_493 = tpu.memref_squeeze %dma_wait3A_492 : memref<1x1x16x128x128xf32, #tpu.memory_space<vmem>> -> memref<16x128x128xf32, #tpu.memory_space<vmem>>
      tpu.wait_dma2 semaphore(%dma_wait3A_483 : memref<!tpu.dma_semaphore, #tpu.memory_space<semaphore_mem>>) src(%dma_wait3A_493 : memref<16x128x128xf32, #tpu.memory_space<vmem>>) dst(%dma_wait3A_488 : memref<16x128x128xf32, #tpu.memory_space<any>>)
      %dma_wait3A_494 = arith.constant 1 : i32
      %dma_wait3A_495 = arith.constant 2 : i32
      %dma_wait3A_496 = arith.constant 2 : i32
      %dma_wait3A_497 = arith.constant 1 : i32
      %dma_wait3A_498 = arith.constant 2 : i32
      %dma_wait3A_499 = tpu.memref_slice %arg6[%dma_wait3A_497, %dma_wait3A_498] : memref<2x8x!tpu.dma_semaphore, #tpu.memory_space<semaphore_mem>> -> memref<1x1x!tpu.dma_semaphore, #tpu.memory_space<semaphore_mem>>
      %dma_wait3A_500 = tpu.memref_squeeze %dma_wait3A_499 : memref<1x1x!tpu.dma_semaphore, #tpu.memory_space<semaphore_mem>> -> memref<!tpu.dma_semaphore, #tpu.memory_space<semaphore_mem>>
      %dma_wait3A_501 = arith.constant 0 : i32
      %dma_wait3A_502 = arith.constant 0 : i32
      %dma_wait3A_503 = arith.constant 0 : i32
      %dma_wait3A_504 = tpu.memref_slice %arg4[%dma_wait3A_496, %dma_wait3A_501, %dma_wait3A_502, %dma_wait3A_503] : memref<8x256x128x128xf32, #tpu.memory_space<any>> -> memref<1x16x128x128xf32, #tpu.memory_space<any>>
      %dma_wait3A_505 = tpu.memref_squeeze %dma_wait3A_504 : memref<1x16x128x128xf32, #tpu.memory_space<any>> -> memref<16x128x128xf32, #tpu.memory_space<any>>
      %dma_wait3A_506 = arith.constant 0 : i32
      %dma_wait3A_507 = arith.constant 0 : i32
      %dma_wait3A_508 = arith.constant 0 : i32
      %dma_wait3A_509 = tpu.memref_slice %arg5[%dma_wait3A_494, %dma_wait3A_495, %dma_wait3A_506, %dma_wait3A_507, %dma_wait3A_508] : memref<2x8x16x128x128xf32, #tpu.memory_space<vmem>> -> memref<1x1x16x128x128xf32, #tpu.memory_space<vmem>>
      %dma_wait3A_510 = tpu.memref_squeeze %dma_wait3A_509 : memref<1x1x16x128x128xf32, #tpu.memory_space<vmem>> -> memref<16x128x128xf32, #tpu.memory_space<vmem>>
      tpu.wait_dma2 semaphore(%dma_wait3A_500 : memref<!tpu.dma_semaphore, #tpu.memory_space<semaphore_mem>>) src(%dma_wait3A_510 : memref<16x128x128xf32, #tpu.memory_space<vmem>>) dst(%dma_wait3A_505 : memref<16x128x128xf32, #tpu.memory_space<any>>)
      %dma_wait3A_511 = arith.constant 1 : i32
      %dma_wait3A_512 = arith.constant 3 : i32
      %dma_wait3A_513 = arith.constant 3 : i32
      %dma_wait3A_514 = arith.constant 1 : i32
      %dma_wait3A_515 = arith.constant 3 : i32
      %dma_wait3A_516 = tpu.memref_slice %arg6[%dma_wait3A_514, %dma_wait3A_515] : memref<2x8x!tpu.dma_semaphore, #tpu.memory_space<semaphore_mem>> -> memref<1x1x!tpu.dma_semaphore, #tpu.memory_space<semaphore_mem>>
      %dma_wait3A_517 = tpu.memref_squeeze %dma_wait3A_516 : memref<1x1x!tpu.dma_semaphore, #tpu.memory_space<semaphore_mem>> -> memref<!tpu.dma_semaphore, #tpu.memory_space<semaphore_mem>>
      %dma_wait3A_518 = arith.constant 0 : i32
      %dma_wait3A_519 = arith.constant 0 : i32
      %dma_wait3A_520 = arith.constant 0 : i32
      %dma_wait3A_521 = tpu.memref_slice %arg4[%dma_wait3A_513, %dma_wait3A_518, %dma_wait3A_519, %dma_wait3A_520] : memref<8x256x128x128xf32, #tpu.memory_space<any>> -> memref<1x16x128x128xf32, #tpu.memory_space<any>>
      %dma_wait3A_522 = tpu.memref_squeeze %dma_wait3A_521 : memref<1x16x128x128xf32, #tpu.memory_space<any>> -> memref<16x128x128xf32, #tpu.memory_space<any>>
      %dma_wait3A_523 = arith.constant 0 : i32
      %dma_wait3A_524 = arith.constant 0 : i32
      %dma_wait3A_525 = arith.constant 0 : i32
      %dma_wait3A_526 = tpu.memref_slice %arg5[%dma_wait3A_511, %dma_wait3A_512, %dma_wait3A_523, %dma_wait3A_524, %dma_wait3A_525] : memref<2x8x16x128x128xf32, #tpu.memory_space<vmem>> -> memref<1x1x16x128x128xf32, #tpu.memory_space<vmem>>
      %dma_wait3A_527 = tpu.memref_squeeze %dma_wait3A_526 : memref<1x1x16x128x128xf32, #tpu.memory_space<vmem>> -> memref<16x128x128xf32, #tpu.memory_space<vmem>>
      tpu.wait_dma2 semaphore(%dma_wait3A_517 : memref<!tpu.dma_semaphore, #tpu.memory_space<semaphore_mem>>) src(%dma_wait3A_527 : memref<16x128x128xf32, #tpu.memory_space<vmem>>) dst(%dma_wait3A_522 : memref<16x128x128xf32, #tpu.memory_space<any>>)
      %dma_wait3A_528 = arith.constant 1 : i32
      %dma_wait3A_529 = arith.constant 4 : i32
      %dma_wait3A_530 = arith.constant 4 : i32
      %dma_wait3A_531 = arith.constant 1 : i32
      %dma_wait3A_532 = arith.constant 4 : i32
      %dma_wait3A_533 = tpu.memref_slice %arg6[%dma_wait3A_531, %dma_wait3A_532] : memref<2x8x!tpu.dma_semaphore, #tpu.memory_space<semaphore_mem>> -> memref<1x1x!tpu.dma_semaphore, #tpu.memory_space<semaphore_mem>>
      %dma_wait3A_534 = tpu.memref_squeeze %dma_wait3A_533 : memref<1x1x!tpu.dma_semaphore, #tpu.memory_space<semaphore_mem>> -> memref<!tpu.dma_semaphore, #tpu.memory_space<semaphore_mem>>
      %dma_wait3A_535 = arith.constant 0 : i32
      %dma_wait3A_536 = arith.constant 0 : i32
      %dma_wait3A_537 = arith.constant 0 : i32
      %dma_wait3A_538 = tpu.memref_slice %arg4[%dma_wait3A_530, %dma_wait3A_535, %dma_wait3A_536, %dma_wait3A_537] : memref<8x256x128x128xf32, #tpu.memory_space<any>> -> memref<1x16x128x128xf32, #tpu.memory_space<any>>
      %dma_wait3A_539 = tpu.memref_squeeze %dma_wait3A_538 : memref<1x16x128x128xf32, #tpu.memory_space<any>> -> memref<16x128x128xf32, #tpu.memory_space<any>>
      %dma_wait3A_540 = arith.constant 0 : i32
      %dma_wait3A_541 = arith.constant 0 : i32
      %dma_wait3A_542 = arith.constant 0 : i32
      %dma_wait3A_543 = tpu.memref_slice %arg5[%dma_wait3A_528, %dma_wait3A_529, %dma_wait3A_540, %dma_wait3A_541, %dma_wait3A_542] : memref<2x8x16x128x128xf32, #tpu.memory_space<vmem>> -> memref<1x1x16x128x128xf32, #tpu.memory_space<vmem>>
      %dma_wait3A_544 = tpu.memref_squeeze %dma_wait3A_543 : memref<1x1x16x128x128xf32, #tpu.memory_space<vmem>> -> memref<16x128x128xf32, #tpu.memory_space<vmem>>
      tpu.wait_dma2 semaphore(%dma_wait3A_534 : memref<!tpu.dma_semaphore, #tpu.memory_space<semaphore_mem>>) src(%dma_wait3A_544 : memref<16x128x128xf32, #tpu.memory_space<vmem>>) dst(%dma_wait3A_539 : memref<16x128x128xf32, #tpu.memory_space<any>>)
      %dma_wait3A_545 = arith.constant 1 : i32
      %dma_wait3A_546 = arith.constant 5 : i32
      %dma_wait3A_547 = arith.constant 5 : i32
      %dma_wait3A_548 = arith.constant 1 : i32
      %dma_wait3A_549 = arith.constant 5 : i32
      %dma_wait3A_550 = tpu.memref_slice %arg6[%dma_wait3A_548, %dma_wait3A_549] : memref<2x8x!tpu.dma_semaphore, #tpu.memory_space<semaphore_mem>> -> memref<1x1x!tpu.dma_semaphore, #tpu.memory_space<semaphore_mem>>
      %dma_wait3A_551 = tpu.memref_squeeze %dma_wait3A_550 : memref<1x1x!tpu.dma_semaphore, #tpu.memory_space<semaphore_mem>> -> memref<!tpu.dma_semaphore, #tpu.memory_space<semaphore_mem>>
      %dma_wait3A_552 = arith.constant 0 : i32
      %dma_wait3A_553 = arith.constant 0 : i32
      %dma_wait3A_554 = arith.constant 0 : i32
      %dma_wait3A_555 = tpu.memref_slice %arg4[%dma_wait3A_547, %dma_wait3A_552, %dma_wait3A_553, %dma_wait3A_554] : memref<8x256x128x128xf32, #tpu.memory_space<any>> -> memref<1x16x128x128xf32, #tpu.memory_space<any>>
      %dma_wait3A_556 = tpu.memref_squeeze %dma_wait3A_555 : memref<1x16x128x128xf32, #tpu.memory_space<any>> -> memref<16x128x128xf32, #tpu.memory_space<any>>
      %dma_wait3A_557 = arith.constant 0 : i32
      %dma_wait3A_558 = arith.constant 0 : i32
      %dma_wait3A_559 = arith.constant 0 : i32
      %dma_wait3A_560 = tpu.memref_slice %arg5[%dma_wait3A_545, %dma_wait3A_546, %dma_wait3A_557, %dma_wait3A_558, %dma_wait3A_559] : memref<2x8x16x128x128xf32, #tpu.memory_space<vmem>> -> memref<1x1x16x128x128xf32, #tpu.memory_space<vmem>>
      %dma_wait3A_561 = tpu.memref_squeeze %dma_wait3A_560 : memref<1x1x16x128x128xf32, #tpu.memory_space<vmem>> -> memref<16x128x128xf32, #tpu.memory_space<vmem>>
      tpu.wait_dma2 semaphore(%dma_wait3A_551 : memref<!tpu.dma_semaphore, #tpu.memory_space<semaphore_mem>>) src(%dma_wait3A_561 : memref<16x128x128xf32, #tpu.memory_space<vmem>>) dst(%dma_wait3A_556 : memref<16x128x128xf32, #tpu.memory_space<any>>)
      %dma_wait3A_562 = arith.constant 1 : i32
      %dma_wait3A_563 = arith.constant 6 : i32
      %dma_wait3A_564 = arith.constant 6 : i32
      %dma_wait3A_565 = arith.constant 1 : i32
      %dma_wait3A_566 = arith.constant 6 : i32
      %dma_wait3A_567 = tpu.memref_slice %arg6[%dma_wait3A_565, %dma_wait3A_566] : memref<2x8x!tpu.dma_semaphore, #tpu.memory_space<semaphore_mem>> -> memref<1x1x!tpu.dma_semaphore, #tpu.memory_space<semaphore_mem>>
      %dma_wait3A_568 = tpu.memref_squeeze %dma_wait3A_567 : memref<1x1x!tpu.dma_semaphore, #tpu.memory_space<semaphore_mem>> -> memref<!tpu.dma_semaphore, #tpu.memory_space<semaphore_mem>>
      %dma_wait3A_569 = arith.constant 0 : i32
      %dma_wait3A_570 = arith.constant 0 : i32
      %dma_wait3A_571 = arith.constant 0 : i32
      %dma_wait3A_572 = tpu.memref_slice %arg4[%dma_wait3A_564, %dma_wait3A_569, %dma_wait3A_570, %dma_wait3A_571] : memref<8x256x128x128xf32, #tpu.memory_space<any>> -> memref<1x16x128x128xf32, #tpu.memory_space<any>>
      %dma_wait3A_573 = tpu.memref_squeeze %dma_wait3A_572 : memref<1x16x128x128xf32, #tpu.memory_space<any>> -> memref<16x128x128xf32, #tpu.memory_space<any>>
      %dma_wait3A_574 = arith.constant 0 : i32
      %dma_wait3A_575 = arith.constant 0 : i32
      %dma_wait3A_576 = arith.constant 0 : i32
      %dma_wait3A_577 = tpu.memref_slice %arg5[%dma_wait3A_562, %dma_wait3A_563, %dma_wait3A_574, %dma_wait3A_575, %dma_wait3A_576] : memref<2x8x16x128x128xf32, #tpu.memory_space<vmem>> -> memref<1x1x16x128x128xf32, #tpu.memory_space<vmem>>
      %dma_wait3A_578 = tpu.memref_squeeze %dma_wait3A_577 : memref<1x1x16x128x128xf32, #tpu.memory_space<vmem>> -> memref<16x128x128xf32, #tpu.memory_space<vmem>>
      tpu.wait_dma2 semaphore(%dma_wait3A_568 : memref<!tpu.dma_semaphore, #tpu.memory_space<semaphore_mem>>) src(%dma_wait3A_578 : memref<16x128x128xf32, #tpu.memory_space<vmem>>) dst(%dma_wait3A_573 : memref<16x128x128xf32, #tpu.memory_space<any>>)
      %dma_wait3A_579 = arith.constant 1 : i32
      %dma_wait3A_580 = arith.constant 7 : i32
      %dma_wait3A_581 = arith.constant 7 : i32
      %dma_wait3A_582 = arith.constant 1 : i32
      %dma_wait3A_583 = arith.constant 7 : i32
      %dma_wait3A_584 = tpu.memref_slice %arg6[%dma_wait3A_582, %dma_wait3A_583] : memref<2x8x!tpu.dma_semaphore, #tpu.memory_space<semaphore_mem>> -> memref<1x1x!tpu.dma_semaphore, #tpu.memory_space<semaphore_mem>>
      %dma_wait3A_585 = tpu.memref_squeeze %dma_wait3A_584 : memref<1x1x!tpu.dma_semaphore, #tpu.memory_space<semaphore_mem>> -> memref<!tpu.dma_semaphore, #tpu.memory_space<semaphore_mem>>
      %dma_wait3A_586 = arith.constant 0 : i32
      %dma_wait3A_587 = arith.constant 0 : i32
      %dma_wait3A_588 = arith.constant 0 : i32
      %dma_wait3A_589 = tpu.memref_slice %arg4[%dma_wait3A_581, %dma_wait3A_586, %dma_wait3A_587, %dma_wait3A_588] : memref<8x256x128x128xf32, #tpu.memory_space<any>> -> memref<1x16x128x128xf32, #tpu.memory_space<any>>
      %dma_wait3A_590 = tpu.memref_squeeze %dma_wait3A_589 : memref<1x16x128x128xf32, #tpu.memory_space<any>> -> memref<16x128x128xf32, #tpu.memory_space<any>>
      %dma_wait3A_591 = arith.constant 0 : i32
      %dma_wait3A_592 = arith.constant 0 : i32
      %dma_wait3A_593 = arith.constant 0 : i32
      %dma_wait3A_594 = tpu.memref_slice %arg5[%dma_wait3A_579, %dma_wait3A_580, %dma_wait3A_591, %dma_wait3A_592, %dma_wait3A_593] : memref<2x8x16x128x128xf32, #tpu.memory_space<vmem>> -> memref<1x1x16x128x128xf32, #tpu.memory_space<vmem>>
      %dma_wait3A_595 = tpu.memref_squeeze %dma_wait3A_594 : memref<1x1x16x128x128xf32, #tpu.memory_space<vmem>> -> memref<16x128x128xf32, #tpu.memory_space<vmem>>
      tpu.wait_dma2 semaphore(%dma_wait3A_585 : memref<!tpu.dma_semaphore, #tpu.memory_space<semaphore_mem>>) src(%dma_wait3A_595 : memref<16x128x128xf32, #tpu.memory_space<vmem>>) dst(%dma_wait3A_590 : memref<16x128x128xf32, #tpu.memory_space<any>>)
    } else {
    }
    return
  }
  func.func @transform_0(%arg0: i32) -> (i32, i32) {
    %c0_i32 = arith.constant 0 : i32
    %c0_i32_0 = arith.constant 0 : i32
    %c0_i32_1 = arith.constant 0 : i32
    return %c0_i32, %c0_i32_0 : i32, i32
  }
  func.func @transform_1(%arg0: i32) -> (i32, i32) {
    %c0_i32 = arith.constant 0 : i32
    %c0_i32_0 = arith.constant 0 : i32
    %c0_i32_1 = arith.constant 0 : i32
    return %c0_i32, %c0_i32_0 : i32, i32
  }
  func.func @transform_2(%arg0: i32) -> (i32, i32, i32) {
    %c0_i32 = arith.constant 0 : i32
    %c0_i32_0 = arith.constant 0 : i32
    %c0_i32_1 = arith.constant 0 : i32
    return %c0_i32, %arg0, %c0_i32_0 : i32, i32, i32
  }
}

</mosaic_0001>

<sc_bundles>
// kernel: kernel.4.cloned.1.call-start
scs
__scs_entry_jumppad:
0x0: {  	(pc) =	sbr.rel $0x88, $3  }
0x1: {  	(tag) =	ssettag $0x0;
	lr =	simm.s32 $0x1  }
0x2: {  	[smem:$0x3F9B] =	sst lr;
	_ =	strace $0xD0000000  }
0x3: {  	_ = 	snop  }
0x4: {  	_ = 	snop  }
0x5: {  	_ = 	snop  }
0x6: {  	_ = 	snop  }
0x7: {  	_ = 	snop  }
__scs_overlays_trampoline_lowered:
0x8: {  	[smem:$0x3FAA] =	sst s0  }
0x9: {  	[smem:$0x3FAB] =	sst s1  }
0xa: {  	[smem:$0x3FAC] =	sst s2  }
0xb: {  	[smem:$0x3FAD] =	sst s3  }
0xc: {  	[smem:$0x3FAE] =	sst s4  }
0xd: {  	[smem:$0x3FAF] =	sst s5  }
0xe: {  	[smem:$0x3FB0] =	sst s6  }
0xf: {  	[smem:$0x3FB1] =	sst s7  }
0x10: {  	[smem:$0x3FB2] =	sst s8  }
0x11: {  	[smem:$0x3FB3] =	sst s9;
	s0 =	simm.s32 @!p0 $0x0  }
0x12: {  	s1 =	sld [smem:$0x3F99];
	s0 =	simm.s32 @p0 $0x1  }
0x13: {  	[smem:$0x3FB4] =	sst s0;
	s0 =	simm.s32 @!p1 $0x0  }
0x14: {  	s2 =	sld [smem:$0x3F98];
	s0 =	simm.s32 @p1 $0x1  }
0x15: {  	[smem:$0x3FB5] =	sst s0;
	s0 =	simm.s32 @!p2 $0x0  }
0x16: {  	s3 =	sld [smem:$0x3FDB];
	s0 =	simm.s32 @p2 $0x1  }
0x17: {  	s4 =	simm.s32 $0x1BF5;
	[smem:$0x3FB7] =	sst s0  }
0x18: {  	s0 =	sld [smem:$0x3F9A];
	_ =	swait.ge [sflag:s4], $0x0  }
0x19: {  	s7 =	sld [smem:$0x3F9B]  }
0x1a: {  	s8 =	sadd.s32 $0xFFFFE003, lr  }
0x1b: {  	s9 =	sadd.s32 $0xFFFFFEF7, lr;
	s5 =	simm.s32 $0xFFFFFFFF;
	p2 =	slt.u32 s8, $0xFFFFF086  }
0x1c: {  	p1 =	slt.u32 s9, $0xF7A;
	s5 =	simm.s32 @!p2 $0x0  }
0x1d: {  	s5 =	simm.s32 @p1 $0x1;
	p0 =	seq.s32 s7, s2  }
0x1e: {  	s7 =	smul.u32 @!p0 $0xF7A, s2;
	p2 =	seq.s32 @!p0 s5, $0x0  }
0x1f: {  	s9 =	smul.u32 $0xF7A, s1;
	s8 =	simm.s32 @!p0 $0x1BF5;
	p2 =	por !p2, p0  }
0x20: {  	[sflag:s8] =	ssyncset.s32 @!p0 $0xFFFFF086;
	s6 =	sadd.s32 @!p0 s3, s7;
	s7 =	simm.s32 @!p0 $0x108  }
0x21: {  	s3 =	sadd.s32 s3, s9;
	s6 =	sadd.s32 @!p0 $0x88, s6;
	s7 =	simm.s32 @p2 $0x1082  }
0x22: {  	[simem:s7], [sflag:s8] =	dma.local @!p0 [hbm:s6], $0xF7A  }
0x23: {  	s9 =	sor.u32 $0xD0000000, s2;
	s6 =	simm.s32 $0x108;
	_ =	swait.ge @!p0 [sflag:s8], $0x0  }
0x24: {  	s3 =	sadd.s32 $0x88, s3;
	s6 =	simm.s32 @!p1 $0x1082;
	[sflag:s4] =	ssyncset.s32 $0xFFFFF086  }
0x25: {  	[simem:s6], [sflag:s4] =	dma.local [hbm:s3], $0xF7A  }
0x26: {  	[smem:$0x3F9B] =	sst s1;
	(tag) =	ssettag s2;
	_ =	strace s9  }
0x27: {  	s1 =	sld [smem:$0x3FAB]  }
0x28: {  	s2 =	sld [smem:$0x3FAC]  }
0x29: {  	s4 =	sld [smem:$0x3FAE]  }
0x2a: {  	p0 =	seq.s32 s5, $0x0;
	s5 =	sld [smem:$0x3FAF]  }
0x2b: {  	s6 =	sld [smem:$0x3FB0]  }
0x2c: {  	s7 =	sld [smem:$0x3FB1]  }
0x2d: {  	s3 =	simm.s32 $0x108;
	s8 =	sld [smem:$0x3FB2]  }
0x2e: {  	s3 =	simm.s32 @!p0 $0x1082;
	s9 =	sld [smem:$0x3FB3]  }
0x2f: {  	lr =	sadd.s32 s0, s3;
	s0 =	sld [smem:$0x3FAA]  }
0x30: {  	s3 =	sld [smem:$0x3FAD]  }
0x31: {  	[smem:$0x3FB6] =	sst s10  }
0x32: {  	s10 =	sld [smem:$0x3FB4];
	_ =	sdelay $0x3  }
0x33: {  	p0 =	seq.s32 s10, $0x1;
	s10 =	sld [smem:$0x3FB6];
	_ =	sdelay $0x3  }
0x34: {  	[smem:$0x3FB6] =	sst s10  }
0x35: {  	s10 =	sld [smem:$0x3FB5];
	_ =	sdelay $0x3  }
0x36: {  	p1 =	seq.s32 s10, $0x1;
	s10 =	sld [smem:$0x3FB6];
	_ =	sdelay $0x3  }
0x37: {  	[smem:$0x3FB6] =	sst s10  }
0x38: {  	s10 =	sld [smem:$0x3FB7]  }
0x39: {  	_ = 	snop;
	(pc) =	sbr.ind lr, $3  }
0x3a: {  	_ = 	snop  }
0x3b: {  	_ = 	snop  }
0x3c: {  	p2 =	seq.s32 s10, $0x1;
	s10 =	sld [smem:$0x3FB6]  }
0x3d: {  	_ =	shalt  }
0x3e: {  	_ =	shalt  }
0x3f: {  	_ =	shalt  }
0x40: {  	_ =	shalt  }
0x41: {  	_ =	shalt  }
0x42: {  	_ =	shalt  }
0x43: {  	_ =	shalt  }
0x44: {  	_ =	shalt  }
0x45: {  	_ =	shalt  }
0x46: {  	_ =	shalt  }
0x47: {  	_ =	shalt  }
0x48: {  	_ =	shalt  }
0x49: {  	_ =	shalt  }
0x4a: {  	_ =	shalt  }
0x4b: {  	_ =	shalt  }
0x4c: {  	_ =	shalt  }
0x4d: {  	_ =	shalt  }
0x4e: {  	_ =	shalt  }
0x4f: {  	_ =	shalt  }
0x50: {  	_ =	shalt  }
0x51: {  	_ =	shalt  }
0x52: {  	_ =	shalt  }
0x53: {  	_ =	shalt  }
0x54: {  	_ =	shalt  }
0x55: {  	_ =	shalt  }
0x56: {  	_ =	shalt  }
0x57: {  	_ =	shalt  }
0x58: {  	_ =	shalt  }
0x59: {  	_ =	shalt  }
0x5a: {  	_ =	shalt  }
0x5b: {  	_ =	shalt  }
0x5c: {  	_ =	shalt  }
0x5d: {  	_ =	shalt  }
0x5e: {  	_ =	shalt  }
0x5f: {  	_ =	shalt  }
0x60: {  	_ =	shalt  }
0x61: {  	_ =	shalt  }
0x62: {  	_ =	shalt  }
0x63: {  	_ =	shalt  }
0x64: {  	_ =	shalt  }
0x65: {  	_ =	shalt  }
0x66: {  	_ =	shalt  }
0x67: {  	_ =	shalt  }
0x68: {  	_ =	shalt  }
0x69: {  	_ =	shalt  }
0x6a: {  	_ =	shalt  }
0x6b: {  	_ =	shalt  }
0x6c: {  	_ =	shalt  }
0x6d: {  	_ =	shalt  }
0x6e: {  	_ =	shalt  }
0x6f: {  	_ =	shalt  }
0x70: {  	_ =	shalt  }
0x71: {  	_ =	shalt  }
0x72: {  	_ =	shalt  }
0x73: {  	_ =	shalt  }
0x74: {  	_ =	shalt  }
0x75: {  	_ =	shalt  }
0x76: {  	_ =	shalt  }
0x77: {  	_ =	shalt  }
0x78: {  	_ =	shalt  }
0x79: {  	_ =	shalt  }
0x7a: {  	_ =	shalt  }
0x7b: {  	_ =	shalt  }
0x7c: {  	_ =	shalt  }
0x7d: {  	_ =	shalt  }
0x7e: {  	_ =	shalt  }
0x7f: {  	_ =	shalt  }
0x80: {  	_ =	shalt  }
0x81: {  	_ =	shalt  }
0x82: {  	_ =	shalt  }
0x83: {  	_ =	shalt  }
0x84: {  	_ =	shalt  }
0x85: {  	_ =	shalt  }
0x86: {  	_ =	shalt  }
0x87: {  	_ =	shalt  }
.Lfunc_end0:
.L_simem_size_0:
called_computation_lowered:
.L_overlay_start_0:
0x88: {  	s2 =	sld [smem:$0x3FD9]  }
0x89: {  	s3 =	sld [smem:$0x3FFE];
	_ =	sdelay $0x1  }
0x8a: {  	s1 =	srdreg.scid  }
0x8b: {  	s0 =	sand.u32 $0x1, s1  }
0x8c: {  	s17 =	sshll.u32 s0, $0xA;
	s2 =	sadd.s32 s3, s2  }
0x8d: {  	s2 =	sadd.s32 s2, s17  }
0x8e: {  	[smem:$0x3FC2] =	sst s2  }
0x8f: {  	_ = 	snop  }
0x90: {  	s2 =	sld [smem:$0x3FC5]  }
0x91: {  	s18 =	sld [smem:$0x3FC4]  }
0x92: {  	s4 =	sld [smem:$0x3FD0];
	(tm) =	ssettm $0x1  }
0x93: {  	s5 =	sld [smem:$0x3FFB];
	_ =	sdelay $0x3  }
0x94: {  	_ =	strace s5  }
0x95: {  	s5 =	sld [smem:$0x3FFC];
	_ =	sdelay $0x3  }
0x96: {  	_ =	strace s5  }
0x97: {  	s5 =	sld [smem:$0x3FFD];
	_ =	sdelay $0x3  }
0x98: {  	_ =	strace s5  }
0x99: {  	_ =	strace $0x8FFFFFFF  }
0x9a: {  	s19 =	sld [smem:$0x3FDB];
	_ =	sdelay $0x1  }
0x9b: {  	s6 =	simm.s32 $_scs_section_size  }
0x9c: {  	s7 =	simm.s32 $_size__tile_overlayer_lowered;
	s8 =	simm.s32 $_tile_overlayer_lowered  }
0x9d: {  	s22 =	simm.s32 $0x1BFF;
	s21 =	sshll.u32 s8, $0x1;
	s5 =	sadd.s32 s6, s19  }
0x9e: {  	s9 =	simm.s32 $0x0;
	s20 =	sshll.u32 s7, $0x1;
	s7 =	sadd.s32 s21, s5  }
0x9f: {  	[timem:s9], [sflag:s22] =	dma.local [hbm:s7], s20  }
0xa0: {  	_ =	swait.ge [sflag:s22], s20  }
0xa1: {  	s6 =	ssub.s32 $0x0, s20;
	[sflag:s22] =	ssyncset.done $0x0  }
0xa2: {  	[sflag:s22] =	ssyncadd.s32 s6;
	_ =	sdelay $0x1  }
0xa3: {  	s23 =	simm.s32 $0x1B8B  }
0xa4: {  	_ =	swait.ge [sflag:s23], $0x1  }
0xa5: {  	[sflag:s23] =	ssyncset.done $0x0  }
0xa6: {  	s25 =	simm.s32 $0x1B8E;
	s24 =	sld [smem:$0x3FFE];
	[sflag:s23] =	ssyncadd.s32 $0xFFFFFFFF  }
0xa7: {  	s26 =	simm.s32 $execute0_lowered;
	[smem:$0x3FD2] =	sst s25  }
0xa8: {  	s7 =	sshll.u32 s26, $0x1;
	_ =	strace $0x80000046;
	[dreg:$0x1] =	wrdreg $0xFFFFFFFF  }
0xa9: {  	s28 =	simm.s32 $_size_execute0_lowered;
	s5 =	sadd.s32 s5, s7;
	[dreg:$0x0] =	wrdreg $0x0  }
0xaa: {  	s7 =	sshll.u32 s28, $0x1;
	[dreg:$0x2] =	wrdreg s5  }
0xab: {  	[dreg:$0x3] =	wrdreg s7  }
0xac: {  	[dreg:$0x4] =	wrdreg $0xC0  }
0xad: {  	_ =	task [dreg:s9], $0x5FFFF  }
0xae: {  	[dreg:$0x1] =	wrdreg $0xFFFFFFFF  }
0xaf: {  	[dreg:$0x0] =	wrdreg $0x60  }
0xb0: {  	[dreg:$0x2] =	wrdreg s4  }
0xb1: {  	[dreg:$0x3] =	wrdreg s24  }
0xb2: {  	[dreg:$0x4] =	wrdreg s2  }
0xb3: {  	[dreg:$0x5] =	wrdreg s18  }
0xb4: {  	[dreg:$0x6] =	wrdreg $0x9  }
0xb5: {  	_ =	task.clear_ibuf [dreg:s9], $0x7FFFF;
	_ =	strace $0x90000046  }
0xb6: {  	s29 =	simm.s32 $0x9;
	_ =	strace $0x80000048  }
0xb7: {  	_ =	swait.ge [sflag:s29], $0x1  }
0xb8: {  	[sflag:s29] =	ssyncadd.s32 $0xFFFFFFFF  }
0xb9: {  	_ =	strace $0x90000048  }
0xba: {  	_ =	sfence  }
0xbb: {  	s30 =	sld [smem:$0x0];
	_ =	sdelay $0x2  }
0xbc: {  	s31 =	sshll.u32 s1, $0xD;
	s1 =	sshrl.u32 s1, $0x2  }
0xbd: {  	s3 =	sand.u32 $0x4000, s31;
	s1 =	sadd.s32 s1, s30  }
0xbe: {  	s0 =	sor.u32 s3, s0;
	s1 =	sshll.u32 s1, $0x11  }
0xbf: {  	s0 =	sor.u32 s1, s0  }
0xc0: {  	s0 =	sadd.s32 $0x8F2B, s0  }
0xc1: {  	[sflag:s0] =	ssyncadd.remote.s32 $0x1  }
0xc2: {  	_ =	sfence.sel $0xFFFF  }
0xc3: {  	[dreg:$0x0] =	wrdreg $0xFFFFFFFF;
	(pc) =	sbr.abs _section_cstart, $3  }
0xc4: {  	[dreg:$0x1] =	wrdreg $0xFFFFFFFF  }
0xc5: {  	_ =	task.clear_ibuf [dreg:s9], $0x2FFFF;
	_ =	strace $0x9FFFFFFF  }
0xc6: {  	(tm) =	ssettm $0x7FFFFFFF  }
0xc7: {  	_ =	shalt  }
tec
execute0_lowered:
.L_overlay_start_1:
0x0: {  	(tag) =	ssettag $0x1  }
0x1: {  	s5 =	rddreg [dreg:$0x0]  }
0x2: {  	s6 =	rddreg [dreg:$0x1]  }
0x3: {  	s2 =	rddreg [dreg:$0x2]  }
0x4: {  	s3 =	rddreg [dreg:$0x3];
	s4 =	srdreg.scid  }
0x5: {  	s0 =	rddreg [dreg:$0x4];
	s1 =	stileid.u32;
	s11 =	simm.s32 $0xA000  }
0x6: {  	s12 =	simm.s32 $0x1;
	s13 =	simm.s32 $0x4000;
	s14 =	simm.s32 $0x2  }
0x7: {  	s15 =	simm.s32 $0x0;
	s7 =	sand.u32 $0x1, s4;
	s4 =	simm.s32 $0x0  }
0x8: {  	s8 =	sshll.u32 s1, $0xB;
	s9 =	sshll.u32 s7, $0xA;
	s7 =	ssub.s32 $0x2, s7  }
0x9: {  	[smem:$0x7FF] =	sst s4;
	s8 =	sor.u32 s9, s8;
	s31 =	sshrl.u32 s7, $0x1  }
0xa: {  	_ =	strace $0x80000047;
	s9 =	sadd.s32 s8, s6;
	s10 =	ssub.s32 s7, s31  }
0xb: {  	s5 =	sadd.s32 s5, s8;
	s6 =	sadd.s32 $0xA00, s9;
	s7 =	sadd.s32 $0x8A00, s9  }
0xc: {  	s8 =	smax.u32 s10, $0x1;
	s9 =	simm.s32 $0x2000;
	s10 =	simm.s32 $0x6000  }
.LBB2_1:
0xd: {  	[tilespmem:s4], [sflag:$0x1] =	stream.linear.gather [hbm4b:s5+s4], $0x2000, $0x38;
	[tilespmem:$0xE000] =	vst v63  }
0xe: {  	_ = 	snop  }
0xf: {  	[tilespmem:s9], [sflag:$0x1] =	stream.linear.gather [hbm4b:s6+s4], $0x2000, $0x38;
	[tilespmem:$0xE000] =	vst v63  }
0x10: {  	_ = 	snop  }
0x11: {  	[tilespmem:s10], [sflag:$0x1] =	stream.linear.gather [hbm4b:s2+s4], $0x4000, $0x38;
	[tilespmem:$0xE000] =	vst v63  }
0x12: {  	_ = 	snop  }
0x13: {  	[tilespmem:s11], [sflag:$0x1] =	stream.linear.gather [hbm4b:s3+s4], $0x4000, $0x38;
	[tilespmem:$0xE000] =	vst v63  }
0x14: {  	_ =	swait.ge [sflag:s12], $0x2000  }
0x15: {  	[sflag:s12] =	ssyncset.done $0x0  }
0x16: {  	[sflag:s12] =	ssyncadd.s32 $0xFFFFE000  }
0x17: {  	_ =	swait.ge [sflag:s12], $0x2000  }
0x18: {  	[sflag:s12] =	ssyncset.done $0x0  }
0x19: {  	[sflag:s12] =	ssyncadd.s32 $0xFFFFE000  }
0x1a: {  	_ =	swait.ge [sflag:s12], $0x4000  }
0x1b: {  	[sflag:s12] =	ssyncset.done $0x0  }
0x1c: {  	[sflag:s12] =	ssyncadd.s32 $0xFFFFC000  }
0x1d: {  	_ =	swait.ge [sflag:s12], $0x4000  }
0x1e: {  	[sflag:s12] =	ssyncset.done $0x0  }
0x1f: {  	s16 =	simm.s32 $0x40;
	[sflag:s12] =	ssyncadd.s32 $0xFFFFC000  }
0x20: {  	v0 =	vld [tilespmem:s16+$0x30]  }
0x21: {  	v1 =	vld [tilespmem:s16+$0xFFFFFFD0]  }
0x22: {  	v2 =	vld [tilespmem:s16+$0xFFFFFFE0]  }
0x23: {  	v4 =	vld [tilespmem:s16+$0xFFFFFFF0]  }
0x24: {  	v6 =	vld [tilespmem:s16+$0x0]  }
0x25: {  	v9 =	vld [tilespmem:s16+$0x10]  }
0x26: {  	v11 =	vld [tilespmem:s16+$0x20]  }
0x27: {  	v3 =	vld [tilespmem:s16+$0xFFFFFFC0];
	s16 =	simm.s32 $0x2040  }
0x28: {  	v7 =	vld [tilespmem:s16+$0x30]  }
0x29: {  	v18 =	vld [tilespmem:s16+$0xFFFFFFC0]  }
0x2a: {  	v19 =	vld [tilespmem:s16+$0xFFFFFFD0]  }
0x2b: {  	v20 =	vld [tilespmem:s16+$0xFFFFFFE0]  }
0x2c: {  	v21 =	vld [tilespmem:s16+$0xFFFFFFF0]  }
0x2d: {  	v22 =	vld [tilespmem:s16+$0x0]  }
0x2e: {  	v23 =	vld [tilespmem:s16+$0x10]  }
0x2f: {  	v24 =	vld [tilespmem:s16+$0x20]  }
0x30: {  	v5 =	vld.idx.msk [tilespmem:v0+s10+$0x0], $0xffff  }
0x31: {  	v0 =	vld.idx.msk [tilespmem:v0+s11+$0x0], $0xffff  }
0x32: {  	v8 =	vld.idx.msk [tilespmem:v1+s10+$0x0], $0xffff  }
0x33: {  	v12 =	vld.idx.msk [tilespmem:v2+s10+$0x0], $0xffff  }
0x34: {  	v13 =	vld.idx.msk [tilespmem:v4+s10+$0x0], $0xffff  }
0x35: {  	v14 =	vld.idx.msk [tilespmem:v6+s10+$0x0], $0xffff  }
0x36: {  	v15 =	vld.idx.msk [tilespmem:v3+s10+$0x0], $0xffff  }
0x37: {  	v16 =	vld.idx.msk [tilespmem:v9+s10+$0x0], $0xffff  }
0x38: {  	v17 =	vld.idx.msk [tilespmem:v11+s10+$0x0], $0xffff  }
0x39: {  	v25 =	vld.idx.msk [tilespmem:v3+s11+$0x0], $0xffff  }
0x3a: {  	v10 =	vld.idx.msk [tilespmem:v1+s11+$0x0], $0xffff  }
0x3b: {  	v3 =	vld.idx.msk [tilespmem:v2+s11+$0x0], $0xffff  }
0x3c: {  	v9 =	vld.idx.msk [tilespmem:v9+s11+$0x0], $0xffff;
	v5 =	vmul.f32 v7, v5  }
0x3d: {  	v15 =	vmul.f32 v18, v15;
	v7 =	vld.idx.msk [tilespmem:v6+s11+$0x0], $0xffff  }
0x3e: {  	v8 =	vmul.f32 v19, v8;
	v6 =	vmul.f32 v21, v13;
	v0 =	vadd.f32 v5, v0;
	v5 =	vld.idx.msk [tilespmem:v4+s11+$0x0], $0xffff  }
0x3f: {  	s17 =	simm.s32 $0x4040;
	v11 =	vld.idx.msk [tilespmem:v11+s11+$0x0], $0xffff;
	v1 =	vmul.f32 v22, v14;
	v2 =	vmul.f32 v23, v16  }
0x40: {  	s18 =	simm.s32 $0x0;
	s19 =	simm.s32 $0xC0;
	v4 =	vmul.f32 v20, v12;
	v12 =	vadd.f32 v15, v25;
	[tilespmem:s17+$0x30] =	vst v0;
	v0 =	vmul.f32 v24, v17  }
.LBB2_2:
0x41: {  	v13 =	vld [tilespmem:s19+$0x30];
	s18 =	sadd.s32 $0x8, s18;
	v8 =	vadd.f32 v8, v10  }
0x42: {  	v3 =	vadd.f32 v4, v3;
	v10 =	vld [tilespmem:s19+$0xFFFFFFD0];
	p0 =	slt.u32 s18, $0x1F8;
	[tilespmem:s17+$0xFFFFFFC0] =	vst v12  }
0x43: {  	v4 =	vadd.f32 v6, v5;
	v12 =	vld [tilespmem:s19+$0xFFFFFFE0];
	[tilespmem:s17+$0xFFFFFFD0] =	vst v8  }
0x44: {  	v1 =	vadd.f32 v1, v7;
	v5 =	vld [tilespmem:s19+$0xFFFFFFF0];
	[tilespmem:s17+$0xFFFFFFE0] =	vst v3  }
0x45: {  	v2 =	vadd.f32 v2, v9;
	v7 =	vld [tilespmem:s19+$0x0];
	[tilespmem:s17+$0xFFFFFFF0] =	vst v4  }
0x46: {  	v0 =	vadd.f32 v0, v11;
	v9 =	vld [tilespmem:s19+$0x10];
	[tilespmem:s17+$0x0] =	vst v1  }
0x47: {  	v11 =	vld [tilespmem:s19+$0x20];
	[tilespmem:s17+$0x10] =	vst v2  }
0x48: {  	v1 =	vld [tilespmem:s19+$0xFFFFFFC0];
	[tilespmem:s17+$0x20] =	vst v0  }
0x49: {  	s16 =	sadd.s32 $0x80, s16;
	v0 =	vld.idx.msk [tilespmem:v13+s10+$0x0], $0xffff  }
0x4a: {  	v2 =	vld [tilespmem:s16+$0x30]  }
0x4b: {  	v3 =	vld.idx.msk [tilespmem:v13+s11+$0x0], $0xffff  }
0x4c: {  	v4 =	vld.idx.msk [tilespmem:v10+s10+$0x0], $0xffff  }
0x4d: {  	v6 =	vld.idx.msk [tilespmem:v12+s10+$0x0], $0xffff  }
0x4e: {  	v13 =	vld.idx.msk [tilespmem:v5+s10+$0x0], $0xffff  }
0x4f: {  	v14 =	vld.idx.msk [tilespmem:v7+s10+$0x0], $0xffff;
	v0 =	vmul.f32 v2, v0  }
0x50: {  	v2 =	vld.idx.msk [tilespmem:v1+s10+$0x0], $0xffff  }
0x51: {  	v15 =	vld.idx.msk [tilespmem:v9+s10+$0x0], $0xffff;
	v0 =	vadd.f32 v0, v3  }
0x52: {  	s17 =	sadd.s32 $0x80, s17;
	v16 =	vld.idx.msk [tilespmem:v11+s10+$0x0], $0xffff  }
0x53: {  	v3 =	vld [tilespmem:s16+$0xFFFFFFC0];
	[tilespmem:s17+$0x30] =	vst v0  }
0x54: {  	v0 =	vld [tilespmem:s16+$0xFFFFFFD0]  }
0x55: {  	v17 =	vld [tilespmem:s16+$0xFFFFFFE0]  }
0x56: {  	v18 =	vld [tilespmem:s16+$0xFFFFFFF0]  }
0x57: {  	v19 =	vld [tilespmem:s16+$0x0]  }
0x58: {  	v20 =	vmul.f32 v3, v2;
	v2 =	vld [tilespmem:s16+$0x10]  }
0x59: {  	v8 =	vmul.f32 v0, v4;
	v0 =	vld [tilespmem:s16+$0x20]  }
0x5a: {  	v21 =	vld.idx.msk [tilespmem:v1+s11+$0x0], $0xffff;
	v4 =	vmul.f32 v17, v6  }
0x5b: {  	v10 =	vld.idx.msk [tilespmem:v10+s11+$0x0], $0xffff;
	v6 =	vmul.f32 v18, v13  }
.Ltmp0:
0x5c: {  	v3 =	vld.idx.msk [tilespmem:v12+s11+$0x0], $0xffff;
	v1 =	vmul.f32 v19, v14;
	(pc) =	sbr.rel @p0 .LBB2_2-.Ltmp0, $4  }
0x5d: {  	v5 =	vld.idx.msk [tilespmem:v5+s11+$0x0], $0xffff;
	v2 =	vmul.f32 v2, v15  }
0x5e: {  	v7 =	vld.idx.msk [tilespmem:v7+s11+$0x0], $0xffff;
	v0 =	vmul.f32 v0, v16  }
0x5f: {  	v9 =	vld.idx.msk [tilespmem:v9+s11+$0x0], $0xffff  }
0x60: {  	s19 =	sadd.s32 $0x80, s19;
	v12 =	vadd.f32 v20, v21;
	v11 =	vld.idx.msk [tilespmem:v11+s11+$0x0], $0xffff  }
0x61: {  	v8 =	vadd.f32 v8, v10  }
0x62: {  	v3 =	vadd.f32 v4, v3;
	[tilespmem:s17+$0xFFFFFFC0] =	vst v12  }
0x63: {  	v63 =	vadd.f32 v6, v5;
	[tilespmem:s17+$0xFFFFFFD0] =	vst v8  }
0x64: {  	[tilespmem:s17+$0xFFFFFFE0] =	vst v3;
	v1 =	vadd.f32 v1, v7  }
0x65: {  	[tilespmem:s17+$0xFFFFFFF0] =	vst v63;
	v2 =	vadd.f32 v2, v9  }
0x66: {  	s15 =	sadd.s32 $0x1, s15;
	[tilespmem:s17+$0x0] =	vst v1;
	v0 =	vadd.f32 v0, v11  }
0x67: {  	p0 =	sne.s32 s15, s8;
	[tilespmem:s17+$0x10] =	vst v2  }
.Ltmp1:
0x68: {  	[tilespmem:s17+$0x20] =	vst v0;
	(pc) =	sbr.rel @p0 .LBB2_1-.Ltmp1, $4  }
0x69: {  	[hbm4b:s7+s4] =	stream.linear.scatter [tilespmem:s13], [sflag:$0x2], $0x2000, $0x38;
	[tilespmem:$0xE000] =	vst v63  }
0x6a: {  	_ =	swait.ge [sflag:s14], $0x2000  }
0x6b: {  	[sflag:s14] =	ssyncset.done $0x0  }
0x6c: {  	[sflag:s14] =	ssyncadd.s32 $0xFFFFE000  }
0x6d: {  	_ =	sfence.sel $0x180000  }
0x6e: {  	[bflag:$0x0] =	sbarrier.arrive $0xFFFF  }
0x6f: {  	p0 =	sne.s32 s1, $0x0;
	_ =	strace $0x90000047  }
0x70: {  	s0 =	sadd.s32 @!p0 $0x100000, s0;
	[bflag:$0x2] =	sbarrier.arrive $0xFFFF  }
0x71: {  	[sflag:s0] =	ssyncadd.tile.s32 @!p0 $0x1;
	_ =	shalt  }
.Lfunc_end2:
_tile_overlayer_lowered:
.L_overlay_start_2:
0x72: {  	(tag) =	ssettag $0x2  }
0x73: {  	s0 =	rddreg [dreg:$0x0];
	s2 =	stileid.u32  }
0x74: {  	s1 =	rddreg [dreg:$0x1];
	p0 =	sne.s32 s2, $0x0  }
0x75: {  	s3 =	rddreg [dreg:$0x2];
	[bflag:$0x3] =	sbarrier.arrive $0xFFFF;
	s2 =	simm.s32 @!p0 $0x1C02  }
0x76: {  	[timem:s3], [sflag:s2] =	dma.local @!p0 [hbm:s0], s1  }
0x77: {  	s0 =	simm.s32 @!p0 $0x2  }
0x78: {  	_ =	swait.ge @!p0 [sflag:s0], s1  }
0x79: {  	s1 =	ssub.s32 @!p0 $0x0, s1;
	[sflag:s0] =	ssyncset.done @!p0 $0x0  }
0x7a: {  	[sflag:s0] =	ssyncadd.s32 @!p0 s1  }
0x7b: {  	[bflag:$0x3] =	sbarrier.arrive $0xFFFF  }
0x7c: {  	_ =	shalt  }

</sc_bundles>
